<compile_context>
chip_gen: v7x
topology: tpu7x:2x2x1
jax: 0.10.2.dev20260603
libtpu: 0.0.44.dev20260713+nightly
codegen_flags: <defaults>
</compile_context>

<pallas_src>
import jax
import jax.numpy as jnp
from jax import lax
from jax.experimental import pallas as pl
from jax.experimental.pallas import tpu as pltpu
from jax.experimental.pallas import tpu_sc as plsc

_BOUNDS = ((0, 7), (7, 15), (15, 19), (19, 21), (21, 32),
           (32, 37), (37, 41), (41, 76), (76, 85))
_BATCH = 16384
_NCOL = 85
_D = 64
_NG = 9
_NW = 32
_ROWS_PER_W = _BATCH // _NW
_CHUNK = 32
_NCHUNK = _ROWS_PER_W // _CHUNK
_GROWS = _CHUNK * _NG
_L = 16
_IDXN = _ROWS_PER_W * _NG


def _body(x_hbm, tab_hbm, out_hbm, x_v, idx_v, obuf0, obuf1, stab,
          sem_g0, sem_g1, sem_o0, sem_o1):
  obufs = (obuf0, obuf1)
  sems_g = (sem_g0, sem_g1)
  sems_o = (sem_o0, sem_o1)
  sid = lax.axis_index("s")
  wid = sid * 2 + lax.axis_index("c")
  b0 = wid * _ROWS_PER_W
  lane = lax.broadcasted_iota(jnp.int32, (_L,), 0)
  lane9 = lane * _NG

  @pl.when(sid == 0)
  def _stage_table():
    pltpu.sync_copy(tab_hbm, stab)

  pltpu.sync_copy(x_hbm.at[pl.ds(b0 * _NCOL, _ROWS_PER_W * _NCOL)], x_v)

  def rowgrp_body(rg, _):
    rbase = (rg * _L + lane) * _NCOL
    for g, (s, e) in enumerate(_BOUNDS):
      cur = plsc.load_gather(x_v, [rbase + s])
      arg = jnp.full((_L,), s, jnp.int32)
      for c in range(s + 1, e):
        vals = plsc.load_gather(x_v, [rbase + c])
        m = vals > cur
        cur = jnp.where(m, vals, cur)
        arg = jnp.where(m, c, arg)
      plsc.store_scatter(idx_v, [(rg * _L) * _NG + g + lane9], arg)
    return 0

  lax.fori_loop(0, _ROWS_PER_W // _L, rowgrp_body, 0)
  plsc.subcore_barrier()

  def fire_gathers(i, b):
    cps = []
    base = i * _GROWS
    k = 0
    while k < _GROWS:
      n = min(128, _GROWS - k)
      cps.append(pltpu.async_copy(
          stab.at[idx_v.at[pl.ds(base + k, n)]],
          obufs[b].at[pl.ds(k, n)], sems_g[b]))
      k += n
    return cps

  def out_slice(i):
    return out_hbm.at[pl.ds((b0 + i * _CHUNK) * _NG, _GROWS)]

  for cp in fire_gathers(0, 0):
    cp.wait()
  pltpu.async_copy(obufs[0], out_slice(0), sems_o[0])
  for cp in fire_gathers(1, 1):
    cp.wait()
  pltpu.async_copy(obufs[1], out_slice(1), sems_o[1])

  def ring(t, _):
    i2 = 2 * t + 2
    for b in range(2):
      i = i2 + b
      pltpu.make_async_copy(obufs[b], out_slice(i), sems_o[b]).wait()
      for cp in fire_gathers(i, b):
        cp.wait()
      pltpu.async_copy(obufs[b], out_slice(i), sems_o[b])
    return 0

  lax.fori_loop(0, (_NCHUNK - 2) // 2, ring, 0)
  pltpu.make_async_copy(obufs[0], out_slice(0), sems_o[0]).wait()
  pltpu.make_async_copy(obufs[1], out_slice(1), sems_o[1]).wait()


def kernel(x, W_group_weekday, W_group_time, W_group_gender, W_group_camp,
           W_group_grade, W_group_lane, W_group_district, W_group_area,
           W_group_r):
  table = jnp.concatenate(
      (W_group_weekday, W_group_time, W_group_gender, W_group_camp,
       W_group_grade, W_group_lane, W_group_district, W_group_area,
       W_group_r), axis=0)
  mesh = plsc.VectorSubcoreMesh(core_axis_name="c", subcore_axis_name="s")
  f = pl.kernel(
      _body,
      mesh=mesh,
      compiler_params=pltpu.CompilerParams(
          needs_layout_passes=False, use_tc_tiling_on_sc=False),
      out_type=jax.ShapeDtypeStruct((_BATCH * _NG, _D), jnp.float32),
      scratch_types=[
          pltpu.VMEM((_ROWS_PER_W * _NCOL,), jnp.float32),
          pltpu.VMEM((_IDXN,), jnp.int32),
          pltpu.VMEM((_GROWS, _D), jnp.float32),
          pltpu.VMEM((_GROWS, _D), jnp.float32),
          pltpu.VMEM_SHARED((_NCOL, _D), jnp.float32),
          pltpu.SemaphoreType.DMA,
          pltpu.SemaphoreType.DMA,
          pltpu.SemaphoreType.DMA,
          pltpu.SemaphoreType.DMA,
      ],
  )
  out = f(x.reshape(_BATCH * _NCOL), table)
  return out.reshape(_BATCH, _NG * _D)

# --- scband reference (transcript-rebuilt; emitter-appended) ---
"""Pipeline reference for scband-disc-encoder-72584947302857 (READ-ONLY COPY).

The authoritative reference and input builder live on the scoring server;
editing this copy changes nothing except your own understanding.
"""

import jax, jax.numpy as jnp
import numpy as np

GROUPS = {
    'group_weekday': (0, 7),
    'group_time': (7, 15),
    'group_gender': (15, 19),
    'group_camp': (19, 21),
    'group_grade': (21, 32),
    'group_lane': (32, 37),
    'group_district': (37, 41),
    'group_area': (41, 76),
    'group_r': (76, 85),
}
EMBED_DIM = 64
BATCH = 16384


def setup_inputs(seed: int = 0) -> dict:
    key = jax.random.key(seed)
    keys = jax.random.split(key, len(GROUPS) + 1)
    inp = {}
    inp['x'] = jax.random.normal(keys[0], (BATCH, 85), dtype=jnp.float32)
    for i, (name, (s, e)) in enumerate(GROUPS.items()):
        inp['W_' + name] = jax.random.normal(keys[i + 1], (e - s, EMBED_DIM), dtype=jnp.float32) * 0.02
    return inp


def reference(x, W_group_weekday, W_group_time, W_group_gender, W_group_camp,
              W_group_grade, W_group_lane, W_group_district, W_group_area, W_group_r):
    tables = {
        'group_weekday': W_group_weekday,
        'group_time': W_group_time,
        'group_gender': W_group_gender,
        'group_camp': W_group_camp,
        'group_grade': W_group_grade,
        'group_lane': W_group_lane,
        'group_district': W_group_district,
        'group_area': W_group_area,
        'group_r': W_group_r,
    }
    outs = []
    for name, (s, e) in GROUPS.items():
        idx = jnp.argmax(x[:, s:e], axis=1)
        outs.append(jnp.take(tables[name], idx, axis=0))
    # out_shape == '1d' -> concat along feature dim; enc is Identity
    return jnp.concatenate(outs, axis=1)

if __name__ == "__main__":
    import jax
    _d = setup_inputs()
    print(jax.jit(kernel)(*tuple(_d.values())))

</pallas_src>

<mosaic_0001>
#map = affine_map<(d0, d1) -> (0)>
#map1 = affine_map<(d0, d1) -> (0, 0)>
module attributes {stable_mosaic.version = 14 : i64} {
  func.func @_body(%arg0: i32, %arg1: i32, %arg2: memref<1392640xf32, #tpu.memory_space<hbm>>, %arg3: memref<85x64xf32, #tpu.memory_space<hbm>>, %arg4: memref<147456x64xf32, #tpu.memory_space<hbm>>, %arg5: memref<43520xf32, #tpu.memory_space<vmem>>, %arg6: memref<4608xi32, #tpu.memory_space<vmem>>, %arg7: memref<288x64xf32, #tpu.memory_space<vmem>>, %arg8: memref<288x64xf32, #tpu.memory_space<vmem>>, %arg9: memref<85x64xf32, #tpu.memory_space<vmem_shared>>, %arg10: memref<!tpu.dma_semaphore, #tpu.memory_space<semaphore_mem>>, %arg11: memref<!tpu.dma_semaphore, #tpu.memory_space<semaphore_mem>>, %arg12: memref<!tpu.dma_semaphore, #tpu.memory_space<semaphore_mem>>, %arg13: memref<!tpu.dma_semaphore, #tpu.memory_space<semaphore_mem>>) attributes {dimension_semantics = [#tpu.dimension_semantics<core_parallel>, #tpu.dimension_semantics<subcore_parallel>], iteration_bounds = array<i64: 2, 16>, scalar_prefetch = 0 : i64, scratch_operands = 9 : i64, tpu.core_type = #tpu.core_type<sc_vector_subcore>, window_params = [{transform_indices = #map}, {transform_indices = #map1}, {transform_indices = #map1}]} {
    %mul3A = arith.constant 2 : i32
    %mul3A_0 = arith.muli %arg1, %mul3A : i32
    %add3A = arith.addi %mul3A_0, %arg0 : i32
    %mul3A_1 = arith.constant 512 : i32
    %mul3A_2 = arith.muli %add3A, %mul3A_1 : i32
    %iota3A = tpu.iota {dimensions = array<i32: 0>} : vector<16xi32>
    %mul3A_3 = arith.constant 9 : i32
    %mul3A_4 = vector.broadcast %mul3A_3 : i32 to vector<16xi32>
    %mul3A_5 = arith.muli %iota3A, %mul3A_4 : vector<16xi32>
    %eq3A = arith.constant 0 : i32
    %eq3A_6 = arith.cmpi eq, %arg1, %eq3A : i32
    %convert_element_type3A = arith.extui %eq3A_6 : i1 to i32
    %cond3A = arith.constant 0 : i32
    %cond3A_7 = arith.cmpi ne, %convert_element_type3A, %cond3A : i32
    scf.if %cond3A_7 {
      "tpu.region"() ({
        %run_scoped3A = tpu.sem_alloc : memref<!tpu.dma_semaphore, #tpu.memory_space<semaphore_mem>>
        tpu.enqueue_dma source(%arg3 : memref<85x64xf32, #tpu.memory_space<hbm>>) target(%arg9 : memref<85x64xf32, #tpu.memory_space<vmem_shared>>) target_semaphore(%run_scoped3A : memref<!tpu.dma_semaphore, #tpu.memory_space<semaphore_mem>>)
        tpu.wait_dma2 semaphore(%run_scoped3A : memref<!tpu.dma_semaphore, #tpu.memory_space<semaphore_mem>>) src(%arg3 : memref<85x64xf32, #tpu.memory_space<hbm>>) dst(%arg9 : memref<85x64xf32, #tpu.memory_space<vmem_shared>>)
        tpu.yield
      }) : () -> ()
    } else {
    }
    %mul3A_8 = arith.constant 85 : i32
    %mul3A_9 = arith.muli %mul3A_2, %mul3A_8 : i32
    "tpu.region"() ({
      %run_scoped3A = tpu.sem_alloc : memref<!tpu.dma_semaphore, #tpu.memory_space<semaphore_mem>>
      %dma_start3A_149 = tpu.memref_slice %arg2[%mul3A_9] : memref<1392640xf32, #tpu.memory_space<hbm>> -> memref<43520xf32, #tpu.memory_space<hbm>>
      %dma_start3A_150 = tpu.memref_slice %arg2[%mul3A_9] : memref<1392640xf32, #tpu.memory_space<hbm>> -> memref<43520xf32, #tpu.memory_space<hbm>>
      tpu.enqueue_dma source(%dma_start3A_150 : memref<43520xf32, #tpu.memory_space<hbm>>) target(%arg5 : memref<43520xf32, #tpu.memory_space<vmem>>) target_semaphore(%run_scoped3A : memref<!tpu.dma_semaphore, #tpu.memory_space<semaphore_mem>>)
      %dma_wait3A_151 = tpu.memref_slice %arg2[%mul3A_9] : memref<1392640xf32, #tpu.memory_space<hbm>> -> memref<43520xf32, #tpu.memory_space<hbm>>
      %dma_wait3A_152 = tpu.memref_slice %arg2[%mul3A_9] : memref<1392640xf32, #tpu.memory_space<hbm>> -> memref<43520xf32, #tpu.memory_space<hbm>>
      tpu.wait_dma2 semaphore(%run_scoped3A : memref<!tpu.dma_semaphore, #tpu.memory_space<semaphore_mem>>) src(%dma_wait3A_152 : memref<43520xf32, #tpu.memory_space<hbm>>) dst(%arg5 : memref<43520xf32, #tpu.memory_space<vmem>>)
      tpu.yield
    }) : () -> ()
    %scan3A = arith.constant 0 : i32
    %scan3A_10 = arith.constant 0 : i32
    %scan3A_11 = arith.constant 32 : i32
    %scan3A_12 = arith.addi %scan3A_10, %scan3A_11 : i32
    %scan3A_13 = arith.constant 1 : i32
    %scan3A_14 = scf.for %scan3A_149 = %scan3A_10 to %scan3A_12 step %scan3A_13 iter_args(%scan3A_150 = %scan3A) -> (i32)  : i32 {
      %mul3A_151 = arith.constant 16 : i32
      %mul3A_152 = arith.muli %scan3A_149, %mul3A_151 : i32
      %add3A_153 = vector.broadcast %mul3A_152 : i32 to vector<16xi32>
      %add3A_154 = arith.addi %add3A_153, %iota3A : vector<16xi32>
      %mul3A_155 = arith.constant 85 : i32
      %mul3A_156 = vector.broadcast %mul3A_155 : i32 to vector<16xi32>
      %mul3A_157 = arith.muli %add3A_154, %mul3A_156 : vector<16xi32>
      %add3A_158 = arith.constant 0 : i32
      %add3A_159 = vector.broadcast %add3A_158 : i32 to vector<16xi32>
      %add3A_160 = arith.addi %mul3A_157, %add3A_159 : vector<16xi32>
      %gather3A = tpu.vector_load_idx %arg5[%add3A_160] : memref<43520xf32, #tpu.memory_space<vmem>>[vector<16xi32>], vector<16xf32>,
      %broadcast_in_dim3A = arith.constant 0 : i32
      %broadcast_in_dim3A_161 = vector.broadcast %broadcast_in_dim3A : i32 to vector<16xi32>
      %add3A_162 = arith.constant 1 : i32
      %add3A_163 = vector.broadcast %add3A_162 : i32 to vector<16xi32>
      %add3A_164 = arith.addi %mul3A_157, %add3A_163 : vector<16xi32>
      %gather3A_165 = tpu.vector_load_idx %arg5[%add3A_164] : memref<43520xf32, #tpu.memory_space<vmem>>[vector<16xi32>], vector<16xf32>,
      %gt3A = arith.cmpf ogt, %gather3A_165, %gather3A : vector<16xf32>
      %select_n3A = arith.select %gt3A, %gather3A_165, %gather3A : vector<16xi1>, vector<16xf32>
      %jit3A = arith.constant 1 : i32
      %broadcast_in_dim3A_166 = vector.broadcast %jit3A : i32 to vector<16xi32>
      %select_n3A_167 = arith.select %gt3A, %broadcast_in_dim3A_166, %broadcast_in_dim3A_161 : vector<16xi1>, vector<16xi32>
      %add3A_168 = arith.constant 2 : i32
      %add3A_169 = vector.broadcast %add3A_168 : i32 to vector<16xi32>
      %add3A_170 = arith.addi %mul3A_157, %add3A_169 : vector<16xi32>
      %gather3A_171 = tpu.vector_load_idx %arg5[%add3A_170] : memref<43520xf32, #tpu.memory_space<vmem>>[vector<16xi32>], vector<16xf32>,
      %gt3A_172 = arith.cmpf ogt, %gather3A_171, %select_n3A : vector<16xf32>
      %select_n3A_173 = arith.select %gt3A_172, %gather3A_171, %select_n3A : vector<16xi1>, vector<16xf32>
      %jit3A_174 = arith.constant 2 : i32
      %broadcast_in_dim3A_175 = vector.broadcast %jit3A_174 : i32 to vector<16xi32>
      %select_n3A_176 = arith.select %gt3A_172, %broadcast_in_dim3A_175, %select_n3A_167 : vector<16xi1>, vector<16xi32>
      %add3A_177 = arith.constant 3 : i32
      %add3A_178 = vector.broadcast %add3A_177 : i32 to vector<16xi32>
      %add3A_179 = arith.addi %mul3A_157, %add3A_178 : vector<16xi32>
      %gather3A_180 = tpu.vector_load_idx %arg5[%add3A_179] : memref<43520xf32, #tpu.memory_space<vmem>>[vector<16xi32>], vector<16xf32>,
      %gt3A_181 = arith.cmpf ogt, %gather3A_180, %select_n3A_173 : vector<16xf32>
      %select_n3A_182 = arith.select %gt3A_181, %gather3A_180, %select_n3A_173 : vector<16xi1>, vector<16xf32>
      %jit3A_183 = arith.constant 3 : i32
      %broadcast_in_dim3A_184 = vector.broadcast %jit3A_183 : i32 to vector<16xi32>
      %select_n3A_185 = arith.select %gt3A_181, %broadcast_in_dim3A_184, %select_n3A_176 : vector<16xi1>, vector<16xi32>
      %add3A_186 = arith.constant 4 : i32
      %add3A_187 = vector.broadcast %add3A_186 : i32 to vector<16xi32>
      %add3A_188 = arith.addi %mul3A_157, %add3A_187 : vector<16xi32>
      %gather3A_189 = tpu.vector_load_idx %arg5[%add3A_188] : memref<43520xf32, #tpu.memory_space<vmem>>[vector<16xi32>], vector<16xf32>,
      %gt3A_190 = arith.cmpf ogt, %gather3A_189, %select_n3A_182 : vector<16xf32>
      %select_n3A_191 = arith.select %gt3A_190, %gather3A_189, %select_n3A_182 : vector<16xi1>, vector<16xf32>
      %jit3A_192 = arith.constant 4 : i32
      %broadcast_in_dim3A_193 = vector.broadcast %jit3A_192 : i32 to vector<16xi32>
      %select_n3A_194 = arith.select %gt3A_190, %broadcast_in_dim3A_193, %select_n3A_185 : vector<16xi1>, vector<16xi32>
      %add3A_195 = arith.constant 5 : i32
      %add3A_196 = vector.broadcast %add3A_195 : i32 to vector<16xi32>
      %add3A_197 = arith.addi %mul3A_157, %add3A_196 : vector<16xi32>
      %gather3A_198 = tpu.vector_load_idx %arg5[%add3A_197] : memref<43520xf32, #tpu.memory_space<vmem>>[vector<16xi32>], vector<16xf32>,
      %gt3A_199 = arith.cmpf ogt, %gather3A_198, %select_n3A_191 : vector<16xf32>
      %select_n3A_200 = arith.select %gt3A_199, %gather3A_198, %select_n3A_191 : vector<16xi1>, vector<16xf32>
      %jit3A_201 = arith.constant 5 : i32
      %broadcast_in_dim3A_202 = vector.broadcast %jit3A_201 : i32 to vector<16xi32>
      %select_n3A_203 = arith.select %gt3A_199, %broadcast_in_dim3A_202, %select_n3A_194 : vector<16xi1>, vector<16xi32>
      %add3A_204 = arith.constant 6 : i32
      %add3A_205 = vector.broadcast %add3A_204 : i32 to vector<16xi32>
      %add3A_206 = arith.addi %mul3A_157, %add3A_205 : vector<16xi32>
      %gather3A_207 = tpu.vector_load_idx %arg5[%add3A_206] : memref<43520xf32, #tpu.memory_space<vmem>>[vector<16xi32>], vector<16xf32>,
      %gt3A_208 = arith.cmpf ogt, %gather3A_207, %select_n3A_200 : vector<16xf32>
      %select_n3A_209 = arith.select %gt3A_208, %gather3A_207, %select_n3A_200 : vector<16xi1>, vector<16xf32>
      %jit3A_210 = arith.constant 6 : i32
      %broadcast_in_dim3A_211 = vector.broadcast %jit3A_210 : i32 to vector<16xi32>
      %select_n3A_212 = arith.select %gt3A_208, %broadcast_in_dim3A_211, %select_n3A_203 : vector<16xi1>, vector<16xi32>
      %mul3A_213 = arith.constant 16 : i32
      %mul3A_214 = arith.muli %scan3A_149, %mul3A_213 : i32
      %mul3A_215 = arith.constant 9 : i32
      %mul3A_216 = arith.muli %mul3A_214, %mul3A_215 : i32
      %add3A_217 = arith.constant 0 : i32
      %add3A_218 = arith.addi %mul3A_216, %add3A_217 : i32
      %add3A_219 = vector.broadcast %add3A_218 : i32 to vector<16xi32>
      %add3A_220 = arith.addi %add3A_219, %mul3A_5 : vector<16xi32>
      tpu.vector_store_idx %arg6[%add3A_220], %select_n3A_212 : memref<4608xi32, #tpu.memory_space<vmem>>[vector<16xi32>], vector<16xi32>,
      %add3A_221 = arith.constant 7 : i32
      %add3A_222 = vector.broadcast %add3A_221 : i32 to vector<16xi32>
      %add3A_223 = arith.addi %mul3A_157, %add3A_222 : vector<16xi32>
      %gather3A_224 = tpu.vector_load_idx %arg5[%add3A_223] : memref<43520xf32, #tpu.memory_space<vmem>>[vector<16xi32>], vector<16xf32>,
      %broadcast_in_dim3A_225 = arith.constant 7 : i32
      %broadcast_in_dim3A_226 = vector.broadcast %broadcast_in_dim3A_225 : i32 to vector<16xi32>
      %add3A_227 = arith.constant 8 : i32
      %add3A_228 = vector.broadcast %add3A_227 : i32 to vector<16xi32>
      %add3A_229 = arith.addi %mul3A_157, %add3A_228 : vector<16xi32>
      %gather3A_230 = tpu.vector_load_idx %arg5[%add3A_229] : memref<43520xf32, #tpu.memory_space<vmem>>[vector<16xi32>], vector<16xf32>,
      %gt3A_231 = arith.cmpf ogt, %gather3A_230, %gather3A_224 : vector<16xf32>
      %select_n3A_232 = arith.select %gt3A_231, %gather3A_230, %gather3A_224 : vector<16xi1>, vector<16xf32>
      %jit3A_233 = arith.constant 8 : i32
      %broadcast_in_dim3A_234 = vector.broadcast %jit3A_233 : i32 to vector<16xi32>
      %select_n3A_235 = arith.select %gt3A_231, %broadcast_in_dim3A_234, %broadcast_in_dim3A_226 : vector<16xi1>, vector<16xi32>
      %add3A_236 = arith.constant 9 : i32
      %add3A_237 = vector.broadcast %add3A_236 : i32 to vector<16xi32>
      %add3A_238 = arith.addi %mul3A_157, %add3A_237 : vector<16xi32>
      %gather3A_239 = tpu.vector_load_idx %arg5[%add3A_238] : memref<43520xf32, #tpu.memory_space<vmem>>[vector<16xi32>], vector<16xf32>,
      %gt3A_240 = arith.cmpf ogt, %gather3A_239, %select_n3A_232 : vector<16xf32>
      %select_n3A_241 = arith.select %gt3A_240, %gather3A_239, %select_n3A_232 : vector<16xi1>, vector<16xf32>
      %jit3A_242 = arith.constant 9 : i32
      %broadcast_in_dim3A_243 = vector.broadcast %jit3A_242 : i32 to vector<16xi32>
      %select_n3A_244 = arith.select %gt3A_240, %broadcast_in_dim3A_243, %select_n3A_235 : vector<16xi1>, vector<16xi32>
      %add3A_245 = arith.constant 10 : i32
      %add3A_246 = vector.broadcast %add3A_245 : i32 to vector<16xi32>
      %add3A_247 = arith.addi %mul3A_157, %add3A_246 : vector<16xi32>
      %gather3A_248 = tpu.vector_load_idx %arg5[%add3A_247] : memref<43520xf32, #tpu.memory_space<vmem>>[vector<16xi32>], vector<16xf32>,
      %gt3A_249 = arith.cmpf ogt, %gather3A_248, %select_n3A_241 : vector<16xf32>
      %select_n3A_250 = arith.select %gt3A_249, %gather3A_248, %select_n3A_241 : vector<16xi1>, vector<16xf32>
      %jit3A_251 = arith.constant 10 : i32
      %broadcast_in_dim3A_252 = vector.broadcast %jit3A_251 : i32 to vector<16xi32>
      %select_n3A_253 = arith.select %gt3A_249, %broadcast_in_dim3A_252, %select_n3A_244 : vector<16xi1>, vector<16xi32>
      %add3A_254 = arith.constant 11 : i32
      %add3A_255 = vector.broadcast %add3A_254 : i32 to vector<16xi32>
      %add3A_256 = arith.addi %mul3A_157, %add3A_255 : vector<16xi32>
      %gather3A_257 = tpu.vector_load_idx %arg5[%add3A_256] : memref<43520xf32, #tpu.memory_space<vmem>>[vector<16xi32>], vector<16xf32>,
      %gt3A_258 = arith.cmpf ogt, %gather3A_257, %select_n3A_250 : vector<16xf32>
      %select_n3A_259 = arith.select %gt3A_258, %gather3A_257, %select_n3A_250 : vector<16xi1>, vector<16xf32>
      %jit3A_260 = arith.constant 11 : i32
      %broadcast_in_dim3A_261 = vector.broadcast %jit3A_260 : i32 to vector<16xi32>
      %select_n3A_262 = arith.select %gt3A_258, %broadcast_in_dim3A_261, %select_n3A_253 : vector<16xi1>, vector<16xi32>
      %add3A_263 = arith.constant 12 : i32
      %add3A_264 = vector.broadcast %add3A_263 : i32 to vector<16xi32>
      %add3A_265 = arith.addi %mul3A_157, %add3A_264 : vector<16xi32>
      %gather3A_266 = tpu.vector_load_idx %arg5[%add3A_265] : memref<43520xf32, #tpu.memory_space<vmem>>[vector<16xi32>], vector<16xf32>,
      %gt3A_267 = arith.cmpf ogt, %gather3A_266, %select_n3A_259 : vector<16xf32>
      %select_n3A_268 = arith.select %gt3A_267, %gather3A_266, %select_n3A_259 : vector<16xi1>, vector<16xf32>
      %jit3A_269 = arith.constant 12 : i32
      %broadcast_in_dim3A_270 = vector.broadcast %jit3A_269 : i32 to vector<16xi32>
      %select_n3A_271 = arith.select %gt3A_267, %broadcast_in_dim3A_270, %select_n3A_262 : vector<16xi1>, vector<16xi32>
      %add3A_272 = arith.constant 13 : i32
      %add3A_273 = vector.broadcast %add3A_272 : i32 to vector<16xi32>
      %add3A_274 = arith.addi %mul3A_157, %add3A_273 : vector<16xi32>
      %gather3A_275 = tpu.vector_load_idx %arg5[%add3A_274] : memref<43520xf32, #tpu.memory_space<vmem>>[vector<16xi32>], vector<16xf32>,
      %gt3A_276 = arith.cmpf ogt, %gather3A_275, %select_n3A_268 : vector<16xf32>
      %select_n3A_277 = arith.select %gt3A_276, %gather3A_275, %select_n3A_268 : vector<16xi1>, vector<16xf32>
      %jit3A_278 = arith.constant 13 : i32
      %broadcast_in_dim3A_279 = vector.broadcast %jit3A_278 : i32 to vector<16xi32>
      %select_n3A_280 = arith.select %gt3A_276, %broadcast_in_dim3A_279, %select_n3A_271 : vector<16xi1>, vector<16xi32>
      %add3A_281 = arith.constant 14 : i32
      %add3A_282 = vector.broadcast %add3A_281 : i32 to vector<16xi32>
      %add3A_283 = arith.addi %mul3A_157, %add3A_282 : vector<16xi32>
      %gather3A_284 = tpu.vector_load_idx %arg5[%add3A_283] : memref<43520xf32, #tpu.memory_space<vmem>>[vector<16xi32>], vector<16xf32>,
      %gt3A_285 = arith.cmpf ogt, %gather3A_284, %select_n3A_277 : vector<16xf32>
      %select_n3A_286 = arith.select %gt3A_285, %gather3A_284, %select_n3A_277 : vector<16xi1>, vector<16xf32>
      %jit3A_287 = arith.constant 14 : i32
      %broadcast_in_dim3A_288 = vector.broadcast %jit3A_287 : i32 to vector<16xi32>
      %select_n3A_289 = arith.select %gt3A_285, %broadcast_in_dim3A_288, %select_n3A_280 : vector<16xi1>, vector<16xi32>
      %mul3A_290 = arith.constant 16 : i32
      %mul3A_291 = arith.muli %scan3A_149, %mul3A_290 : i32
      %mul3A_292 = arith.constant 9 : i32
      %mul3A_293 = arith.muli %mul3A_291, %mul3A_292 : i32
      %add3A_294 = arith.constant 1 : i32
      %add3A_295 = arith.addi %mul3A_293, %add3A_294 : i32
      %add3A_296 = vector.broadcast %add3A_295 : i32 to vector<16xi32>
      %add3A_297 = arith.addi %add3A_296, %mul3A_5 : vector<16xi32>
      tpu.vector_store_idx %arg6[%add3A_297], %select_n3A_289 : memref<4608xi32, #tpu.memory_space<vmem>>[vector<16xi32>], vector<16xi32>,
      %add3A_298 = arith.constant 15 : i32
      %add3A_299 = vector.broadcast %add3A_298 : i32 to vector<16xi32>
      %add3A_300 = arith.addi %mul3A_157, %add3A_299 : vector<16xi32>
      %gather3A_301 = tpu.vector_load_idx %arg5[%add3A_300] : memref<43520xf32, #tpu.memory_space<vmem>>[vector<16xi32>], vector<16xf32>,
      %broadcast_in_dim3A_302 = arith.constant 15 : i32
      %broadcast_in_dim3A_303 = vector.broadcast %broadcast_in_dim3A_302 : i32 to vector<16xi32>
      %add3A_304 = arith.constant 16 : i32
      %add3A_305 = vector.broadcast %add3A_304 : i32 to vector<16xi32>
      %add3A_306 = arith.addi %mul3A_157, %add3A_305 : vector<16xi32>
      %gather3A_307 = tpu.vector_load_idx %arg5[%add3A_306] : memref<43520xf32, #tpu.memory_space<vmem>>[vector<16xi32>], vector<16xf32>,
      %gt3A_308 = arith.cmpf ogt, %gather3A_307, %gather3A_301 : vector<16xf32>
      %select_n3A_309 = arith.select %gt3A_308, %gather3A_307, %gather3A_301 : vector<16xi1>, vector<16xf32>
      %jit3A_310 = arith.constant 16 : i32
      %broadcast_in_dim3A_311 = vector.broadcast %jit3A_310 : i32 to vector<16xi32>
      %select_n3A_312 = arith.select %gt3A_308, %broadcast_in_dim3A_311, %broadcast_in_dim3A_303 : vector<16xi1>, vector<16xi32>
      %add3A_313 = arith.constant 17 : i32
      %add3A_314 = vector.broadcast %add3A_313 : i32 to vector<16xi32>
      %add3A_315 = arith.addi %mul3A_157, %add3A_314 : vector<16xi32>
      %gather3A_316 = tpu.vector_load_idx %arg5[%add3A_315] : memref<43520xf32, #tpu.memory_space<vmem>>[vector<16xi32>], vector<16xf32>,
      %gt3A_317 = arith.cmpf ogt, %gather3A_316, %select_n3A_309 : vector<16xf32>
      %select_n3A_318 = arith.select %gt3A_317, %gather3A_316, %select_n3A_309 : vector<16xi1>, vector<16xf32>
      %jit3A_319 = arith.constant 17 : i32
      %broadcast_in_dim3A_320 = vector.broadcast %jit3A_319 : i32 to vector<16xi32>
      %select_n3A_321 = arith.select %gt3A_317, %broadcast_in_dim3A_320, %select_n3A_312 : vector<16xi1>, vector<16xi32>
      %add3A_322 = arith.constant 18 : i32
      %add3A_323 = vector.broadcast %add3A_322 : i32 to vector<16xi32>
      %add3A_324 = arith.addi %mul3A_157, %add3A_323 : vector<16xi32>
      %gather3A_325 = tpu.vector_load_idx %arg5[%add3A_324] : memref<43520xf32, #tpu.memory_space<vmem>>[vector<16xi32>], vector<16xf32>,
      %gt3A_326 = arith.cmpf ogt, %gather3A_325, %select_n3A_318 : vector<16xf32>
      %select_n3A_327 = arith.select %gt3A_326, %gather3A_325, %select_n3A_318 : vector<16xi1>, vector<16xf32>
      %jit3A_328 = arith.constant 18 : i32
      %broadcast_in_dim3A_329 = vector.broadcast %jit3A_328 : i32 to vector<16xi32>
      %select_n3A_330 = arith.select %gt3A_326, %broadcast_in_dim3A_329, %select_n3A_321 : vector<16xi1>, vector<16xi32>
      %mul3A_331 = arith.constant 16 : i32
      %mul3A_332 = arith.muli %scan3A_149, %mul3A_331 : i32
      %mul3A_333 = arith.constant 9 : i32
      %mul3A_334 = arith.muli %mul3A_332, %mul3A_333 : i32
      %add3A_335 = arith.constant 2 : i32
      %add3A_336 = arith.addi %mul3A_334, %add3A_335 : i32
      %add3A_337 = vector.broadcast %add3A_336 : i32 to vector<16xi32>
      %add3A_338 = arith.addi %add3A_337, %mul3A_5 : vector<16xi32>
      tpu.vector_store_idx %arg6[%add3A_338], %select_n3A_330 : memref<4608xi32, #tpu.memory_space<vmem>>[vector<16xi32>], vector<16xi32>,
      %add3A_339 = arith.constant 19 : i32
      %add3A_340 = vector.broadcast %add3A_339 : i32 to vector<16xi32>
      %add3A_341 = arith.addi %mul3A_157, %add3A_340 : vector<16xi32>
      %gather3A_342 = tpu.vector_load_idx %arg5[%add3A_341] : memref<43520xf32, #tpu.memory_space<vmem>>[vector<16xi32>], vector<16xf32>,
      %broadcast_in_dim3A_343 = arith.constant 19 : i32
      %broadcast_in_dim3A_344 = vector.broadcast %broadcast_in_dim3A_343 : i32 to vector<16xi32>
      %add3A_345 = arith.constant 20 : i32
      %add3A_346 = vector.broadcast %add3A_345 : i32 to vector<16xi32>
      %add3A_347 = arith.addi %mul3A_157, %add3A_346 : vector<16xi32>
      %gather3A_348 = tpu.vector_load_idx %arg5[%add3A_347] : memref<43520xf32, #tpu.memory_space<vmem>>[vector<16xi32>], vector<16xf32>,
      %gt3A_349 = arith.cmpf ogt, %gather3A_348, %gather3A_342 : vector<16xf32>
      %select_n3A_350 = arith.select %gt3A_349, %gather3A_348, %gather3A_342 : vector<16xi1>, vector<16xf32>
      %jit3A_351 = arith.constant 20 : i32
      %broadcast_in_dim3A_352 = vector.broadcast %jit3A_351 : i32 to vector<16xi32>
      %select_n3A_353 = arith.select %gt3A_349, %broadcast_in_dim3A_352, %broadcast_in_dim3A_344 : vector<16xi1>, vector<16xi32>
      %mul3A_354 = arith.constant 16 : i32
      %mul3A_355 = arith.muli %scan3A_149, %mul3A_354 : i32
      %mul3A_356 = arith.constant 9 : i32
      %mul3A_357 = arith.muli %mul3A_355, %mul3A_356 : i32
      %add3A_358 = arith.constant 3 : i32
      %add3A_359 = arith.addi %mul3A_357, %add3A_358 : i32
      %add3A_360 = vector.broadcast %add3A_359 : i32 to vector<16xi32>
      %add3A_361 = arith.addi %add3A_360, %mul3A_5 : vector<16xi32>
      tpu.vector_store_idx %arg6[%add3A_361], %select_n3A_353 : memref<4608xi32, #tpu.memory_space<vmem>>[vector<16xi32>], vector<16xi32>,
      %add3A_362 = arith.constant 21 : i32
      %add3A_363 = vector.broadcast %add3A_362 : i32 to vector<16xi32>
      %add3A_364 = arith.addi %mul3A_157, %add3A_363 : vector<16xi32>
      %gather3A_365 = tpu.vector_load_idx %arg5[%add3A_364] : memref<43520xf32, #tpu.memory_space<vmem>>[vector<16xi32>], vector<16xf32>,
      %broadcast_in_dim3A_366 = arith.constant 21 : i32
      %broadcast_in_dim3A_367 = vector.broadcast %broadcast_in_dim3A_366 : i32 to vector<16xi32>
      %add3A_368 = arith.constant 22 : i32
      %add3A_369 = vector.broadcast %add3A_368 : i32 to vector<16xi32>
      %add3A_370 = arith.addi %mul3A_157, %add3A_369 : vector<16xi32>
      %gather3A_371 = tpu.vector_load_idx %arg5[%add3A_370] : memref<43520xf32, #tpu.memory_space<vmem>>[vector<16xi32>], vector<16xf32>,
      %gt3A_372 = arith.cmpf ogt, %gather3A_371, %gather3A_365 : vector<16xf32>
      %select_n3A_373 = arith.select %gt3A_372, %gather3A_371, %gather3A_365 : vector<16xi1>, vector<16xf32>
      %jit3A_374 = arith.constant 22 : i32
      %broadcast_in_dim3A_375 = vector.broadcast %jit3A_374 : i32 to vector<16xi32>
      %select_n3A_376 = arith.select %gt3A_372, %broadcast_in_dim3A_375, %broadcast_in_dim3A_367 : vector<16xi1>, vector<16xi32>
      %add3A_377 = arith.constant 23 : i32
      %add3A_378 = vector.broadcast %add3A_377 : i32 to vector<16xi32>
      %add3A_379 = arith.addi %mul3A_157, %add3A_378 : vector<16xi32>
      %gather3A_380 = tpu.vector_load_idx %arg5[%add3A_379] : memref<43520xf32, #tpu.memory_space<vmem>>[vector<16xi32>], vector<16xf32>,
      %gt3A_381 = arith.cmpf ogt, %gather3A_380, %select_n3A_373 : vector<16xf32>
      %select_n3A_382 = arith.select %gt3A_381, %gather3A_380, %select_n3A_373 : vector<16xi1>, vector<16xf32>
      %jit3A_383 = arith.constant 23 : i32
      %broadcast_in_dim3A_384 = vector.broadcast %jit3A_383 : i32 to vector<16xi32>
      %select_n3A_385 = arith.select %gt3A_381, %broadcast_in_dim3A_384, %select_n3A_376 : vector<16xi1>, vector<16xi32>
      %add3A_386 = arith.constant 24 : i32
      %add3A_387 = vector.broadcast %add3A_386 : i32 to vector<16xi32>
      %add3A_388 = arith.addi %mul3A_157, %add3A_387 : vector<16xi32>
      %gather3A_389 = tpu.vector_load_idx %arg5[%add3A_388] : memref<43520xf32, #tpu.memory_space<vmem>>[vector<16xi32>], vector<16xf32>,
      %gt3A_390 = arith.cmpf ogt, %gather3A_389, %select_n3A_382 : vector<16xf32>
      %select_n3A_391 = arith.select %gt3A_390, %gather3A_389, %select_n3A_382 : vector<16xi1>, vector<16xf32>
      %jit3A_392 = arith.constant 24 : i32
      %broadcast_in_dim3A_393 = vector.broadcast %jit3A_392 : i32 to vector<16xi32>
      %select_n3A_394 = arith.select %gt3A_390, %broadcast_in_dim3A_393, %select_n3A_385 : vector<16xi1>, vector<16xi32>
      %add3A_395 = arith.constant 25 : i32
      %add3A_396 = vector.broadcast %add3A_395 : i32 to vector<16xi32>
      %add3A_397 = arith.addi %mul3A_157, %add3A_396 : vector<16xi32>
      %gather3A_398 = tpu.vector_load_idx %arg5[%add3A_397] : memref<43520xf32, #tpu.memory_space<vmem>>[vector<16xi32>], vector<16xf32>,
      %gt3A_399 = arith.cmpf ogt, %gather3A_398, %select_n3A_391 : vector<16xf32>
      %select_n3A_400 = arith.select %gt3A_399, %gather3A_398, %select_n3A_391 : vector<16xi1>, vector<16xf32>
      %jit3A_401 = arith.constant 25 : i32
      %broadcast_in_dim3A_402 = vector.broadcast %jit3A_401 : i32 to vector<16xi32>
      %select_n3A_403 = arith.select %gt3A_399, %broadcast_in_dim3A_402, %select_n3A_394 : vector<16xi1>, vector<16xi32>
      %add3A_404 = arith.constant 26 : i32
      %add3A_405 = vector.broadcast %add3A_404 : i32 to vector<16xi32>
      %add3A_406 = arith.addi %mul3A_157, %add3A_405 : vector<16xi32>
      %gather3A_407 = tpu.vector_load_idx %arg5[%add3A_406] : memref<43520xf32, #tpu.memory_space<vmem>>[vector<16xi32>], vector<16xf32>,
      %gt3A_408 = arith.cmpf ogt, %gather3A_407, %select_n3A_400 : vector<16xf32>
      %select_n3A_409 = arith.select %gt3A_408, %gather3A_407, %select_n3A_400 : vector<16xi1>, vector<16xf32>
      %jit3A_410 = arith.constant 26 : i32
      %broadcast_in_dim3A_411 = vector.broadcast %jit3A_410 : i32 to vector<16xi32>
      %select_n3A_412 = arith.select %gt3A_408, %broadcast_in_dim3A_411, %select_n3A_403 : vector<16xi1>, vector<16xi32>
      %add3A_413 = arith.constant 27 : i32
      %add3A_414 = vector.broadcast %add3A_413 : i32 to vector<16xi32>
      %add3A_415 = arith.addi %mul3A_157, %add3A_414 : vector<16xi32>
      %gather3A_416 = tpu.vector_load_idx %arg5[%add3A_415] : memref<43520xf32, #tpu.memory_space<vmem>>[vector<16xi32>], vector<16xf32>,
      %gt3A_417 = arith.cmpf ogt, %gather3A_416, %select_n3A_409 : vector<16xf32>
      %select_n3A_418 = arith.select %gt3A_417, %gather3A_416, %select_n3A_409 : vector<16xi1>, vector<16xf32>
      %jit3A_419 = arith.constant 27 : i32
      %broadcast_in_dim3A_420 = vector.broadcast %jit3A_419 : i32 to vector<16xi32>
      %select_n3A_421 = arith.select %gt3A_417, %broadcast_in_dim3A_420, %select_n3A_412 : vector<16xi1>, vector<16xi32>
      %add3A_422 = arith.constant 28 : i32
      %add3A_423 = vector.broadcast %add3A_422 : i32 to vector<16xi32>
      %add3A_424 = arith.addi %mul3A_157, %add3A_423 : vector<16xi32>
      %gather3A_425 = tpu.vector_load_idx %arg5[%add3A_424] : memref<43520xf32, #tpu.memory_space<vmem>>[vector<16xi32>], vector<16xf32>,
      %gt3A_426 = arith.cmpf ogt, %gather3A_425, %select_n3A_418 : vector<16xf32>
      %select_n3A_427 = arith.select %gt3A_426, %gather3A_425, %select_n3A_418 : vector<16xi1>, vector<16xf32>
      %jit3A_428 = arith.constant 28 : i32
      %broadcast_in_dim3A_429 = vector.broadcast %jit3A_428 : i32 to vector<16xi32>
      %select_n3A_430 = arith.select %gt3A_426, %broadcast_in_dim3A_429, %select_n3A_421 : vector<16xi1>, vector<16xi32>
      %add3A_431 = arith.constant 29 : i32
      %add3A_432 = vector.broadcast %add3A_431 : i32 to vector<16xi32>
      %add3A_433 = arith.addi %mul3A_157, %add3A_432 : vector<16xi32>
      %gather3A_434 = tpu.vector_load_idx %arg5[%add3A_433] : memref<43520xf32, #tpu.memory_space<vmem>>[vector<16xi32>], vector<16xf32>,
      %gt3A_435 = arith.cmpf ogt, %gather3A_434, %select_n3A_427 : vector<16xf32>
      %select_n3A_436 = arith.select %gt3A_435, %gather3A_434, %select_n3A_427 : vector<16xi1>, vector<16xf32>
      %jit3A_437 = arith.constant 29 : i32
      %broadcast_in_dim3A_438 = vector.broadcast %jit3A_437 : i32 to vector<16xi32>
      %select_n3A_439 = arith.select %gt3A_435, %broadcast_in_dim3A_438, %select_n3A_430 : vector<16xi1>, vector<16xi32>
      %add3A_440 = arith.constant 30 : i32
      %add3A_441 = vector.broadcast %add3A_440 : i32 to vector<16xi32>
      %add3A_442 = arith.addi %mul3A_157, %add3A_441 : vector<16xi32>
      %gather3A_443 = tpu.vector_load_idx %arg5[%add3A_442] : memref<43520xf32, #tpu.memory_space<vmem>>[vector<16xi32>], vector<16xf32>,
      %gt3A_444 = arith.cmpf ogt, %gather3A_443, %select_n3A_436 : vector<16xf32>
      %select_n3A_445 = arith.select %gt3A_444, %gather3A_443, %select_n3A_436 : vector<16xi1>, vector<16xf32>
      %jit3A_446 = arith.constant 30 : i32
      %broadcast_in_dim3A_447 = vector.broadcast %jit3A_446 : i32 to vector<16xi32>
      %select_n3A_448 = arith.select %gt3A_444, %broadcast_in_dim3A_447, %select_n3A_439 : vector<16xi1>, vector<16xi32>
      %add3A_449 = arith.constant 31 : i32
      %add3A_450 = vector.broadcast %add3A_449 : i32 to vector<16xi32>
      %add3A_451 = arith.addi %mul3A_157, %add3A_450 : vector<16xi32>
      %gather3A_452 = tpu.vector_load_idx %arg5[%add3A_451] : memref<43520xf32, #tpu.memory_space<vmem>>[vector<16xi32>], vector<16xf32>,
      %gt3A_453 = arith.cmpf ogt, %gather3A_452, %select_n3A_445 : vector<16xf32>
      %select_n3A_454 = arith.select %gt3A_453, %gather3A_452, %select_n3A_445 : vector<16xi1>, vector<16xf32>
      %jit3A_455 = arith.constant 31 : i32
      %broadcast_in_dim3A_456 = vector.broadcast %jit3A_455 : i32 to vector<16xi32>
      %select_n3A_457 = arith.select %gt3A_453, %broadcast_in_dim3A_456, %select_n3A_448 : vector<16xi1>, vector<16xi32>
      %mul3A_458 = arith.constant 16 : i32
      %mul3A_459 = arith.muli %scan3A_149, %mul3A_458 : i32
      %mul3A_460 = arith.constant 9 : i32
      %mul3A_461 = arith.muli %mul3A_459, %mul3A_460 : i32
      %add3A_462 = arith.constant 4 : i32
      %add3A_463 = arith.addi %mul3A_461, %add3A_462 : i32
      %add3A_464 = vector.broadcast %add3A_463 : i32 to vector<16xi32>
      %add3A_465 = arith.addi %add3A_464, %mul3A_5 : vector<16xi32>
      tpu.vector_store_idx %arg6[%add3A_465], %select_n3A_457 : memref<4608xi32, #tpu.memory_space<vmem>>[vector<16xi32>], vector<16xi32>,
      %add3A_466 = arith.constant 32 : i32
      %add3A_467 = vector.broadcast %add3A_466 : i32 to vector<16xi32>
      %add3A_468 = arith.addi %mul3A_157, %add3A_467 : vector<16xi32>
      %gather3A_469 = tpu.vector_load_idx %arg5[%add3A_468] : memref<43520xf32, #tpu.memory_space<vmem>>[vector<16xi32>], vector<16xf32>,
      %broadcast_in_dim3A_470 = arith.constant 32 : i32
      %broadcast_in_dim3A_471 = vector.broadcast %broadcast_in_dim3A_470 : i32 to vector<16xi32>
      %add3A_472 = arith.constant 33 : i32
      %add3A_473 = vector.broadcast %add3A_472 : i32 to vector<16xi32>
      %add3A_474 = arith.addi %mul3A_157, %add3A_473 : vector<16xi32>
      %gather3A_475 = tpu.vector_load_idx %arg5[%add3A_474] : memref<43520xf32, #tpu.memory_space<vmem>>[vector<16xi32>], vector<16xf32>,
      %gt3A_476 = arith.cmpf ogt, %gather3A_475, %gather3A_469 : vector<16xf32>
      %select_n3A_477 = arith.select %gt3A_476, %gather3A_475, %gather3A_469 : vector<16xi1>, vector<16xf32>
      %jit3A_478 = arith.constant 33 : i32
      %broadcast_in_dim3A_479 = vector.broadcast %jit3A_478 : i32 to vector<16xi32>
      %select_n3A_480 = arith.select %gt3A_476, %broadcast_in_dim3A_479, %broadcast_in_dim3A_471 : vector<16xi1>, vector<16xi32>
      %add3A_481 = arith.constant 34 : i32
      %add3A_482 = vector.broadcast %add3A_481 : i32 to vector<16xi32>
      %add3A_483 = arith.addi %mul3A_157, %add3A_482 : vector<16xi32>
      %gather3A_484 = tpu.vector_load_idx %arg5[%add3A_483] : memref<43520xf32, #tpu.memory_space<vmem>>[vector<16xi32>], vector<16xf32>,
      %gt3A_485 = arith.cmpf ogt, %gather3A_484, %select_n3A_477 : vector<16xf32>
      %select_n3A_486 = arith.select %gt3A_485, %gather3A_484, %select_n3A_477 : vector<16xi1>, vector<16xf32>
      %jit3A_487 = arith.constant 34 : i32
      %broadcast_in_dim3A_488 = vector.broadcast %jit3A_487 : i32 to vector<16xi32>
      %select_n3A_489 = arith.select %gt3A_485, %broadcast_in_dim3A_488, %select_n3A_480 : vector<16xi1>, vector<16xi32>
      %add3A_490 = arith.constant 35 : i32
      %add3A_491 = vector.broadcast %add3A_490 : i32 to vector<16xi32>
      %add3A_492 = arith.addi %mul3A_157, %add3A_491 : vector<16xi32>
      %gather3A_493 = tpu.vector_load_idx %arg5[%add3A_492] : memref<43520xf32, #tpu.memory_space<vmem>>[vector<16xi32>], vector<16xf32>,
      %gt3A_494 = arith.cmpf ogt, %gather3A_493, %select_n3A_486 : vector<16xf32>
      %select_n3A_495 = arith.select %gt3A_494, %gather3A_493, %select_n3A_486 : vector<16xi1>, vector<16xf32>
      %jit3A_496 = arith.constant 35 : i32
      %broadcast_in_dim3A_497 = vector.broadcast %jit3A_496 : i32 to vector<16xi32>
      %select_n3A_498 = arith.select %gt3A_494, %broadcast_in_dim3A_497, %select_n3A_489 : vector<16xi1>, vector<16xi32>
      %add3A_499 = arith.constant 36 : i32
      %add3A_500 = vector.broadcast %add3A_499 : i32 to vector<16xi32>
      %add3A_501 = arith.addi %mul3A_157, %add3A_500 : vector<16xi32>
      %gather3A_502 = tpu.vector_load_idx %arg5[%add3A_501] : memref<43520xf32, #tpu.memory_space<vmem>>[vector<16xi32>], vector<16xf32>,
      %gt3A_503 = arith.cmpf ogt, %gather3A_502, %select_n3A_495 : vector<16xf32>
      %select_n3A_504 = arith.select %gt3A_503, %gather3A_502, %select_n3A_495 : vector<16xi1>, vector<16xf32>
      %jit3A_505 = arith.constant 36 : i32
      %broadcast_in_dim3A_506 = vector.broadcast %jit3A_505 : i32 to vector<16xi32>
      %select_n3A_507 = arith.select %gt3A_503, %broadcast_in_dim3A_506, %select_n3A_498 : vector<16xi1>, vector<16xi32>
      %mul3A_508 = arith.constant 16 : i32
      %mul3A_509 = arith.muli %scan3A_149, %mul3A_508 : i32
      %mul3A_510 = arith.constant 9 : i32
      %mul3A_511 = arith.muli %mul3A_509, %mul3A_510 : i32
      %add3A_512 = arith.constant 5 : i32
      %add3A_513 = arith.addi %mul3A_511, %add3A_512 : i32
      %add3A_514 = vector.broadcast %add3A_513 : i32 to vector<16xi32>
      %add3A_515 = arith.addi %add3A_514, %mul3A_5 : vector<16xi32>
      tpu.vector_store_idx %arg6[%add3A_515], %select_n3A_507 : memref<4608xi32, #tpu.memory_space<vmem>>[vector<16xi32>], vector<16xi32>,
      %add3A_516 = arith.constant 37 : i32
      %add3A_517 = vector.broadcast %add3A_516 : i32 to vector<16xi32>
      %add3A_518 = arith.addi %mul3A_157, %add3A_517 : vector<16xi32>
      %gather3A_519 = tpu.vector_load_idx %arg5[%add3A_518] : memref<43520xf32, #tpu.memory_space<vmem>>[vector<16xi32>], vector<16xf32>,
      %broadcast_in_dim3A_520 = arith.constant 37 : i32
      %broadcast_in_dim3A_521 = vector.broadcast %broadcast_in_dim3A_520 : i32 to vector<16xi32>
      %add3A_522 = arith.constant 38 : i32
      %add3A_523 = vector.broadcast %add3A_522 : i32 to vector<16xi32>
      %add3A_524 = arith.addi %mul3A_157, %add3A_523 : vector<16xi32>
      %gather3A_525 = tpu.vector_load_idx %arg5[%add3A_524] : memref<43520xf32, #tpu.memory_space<vmem>>[vector<16xi32>], vector<16xf32>,
      %gt3A_526 = arith.cmpf ogt, %gather3A_525, %gather3A_519 : vector<16xf32>
      %select_n3A_527 = arith.select %gt3A_526, %gather3A_525, %gather3A_519 : vector<16xi1>, vector<16xf32>
      %jit3A_528 = arith.constant 38 : i32
      %broadcast_in_dim3A_529 = vector.broadcast %jit3A_528 : i32 to vector<16xi32>
      %select_n3A_530 = arith.select %gt3A_526, %broadcast_in_dim3A_529, %broadcast_in_dim3A_521 : vector<16xi1>, vector<16xi32>
      %add3A_531 = arith.constant 39 : i32
      %add3A_532 = vector.broadcast %add3A_531 : i32 to vector<16xi32>
      %add3A_533 = arith.addi %mul3A_157, %add3A_532 : vector<16xi32>
      %gather3A_534 = tpu.vector_load_idx %arg5[%add3A_533] : memref<43520xf32, #tpu.memory_space<vmem>>[vector<16xi32>], vector<16xf32>,
      %gt3A_535 = arith.cmpf ogt, %gather3A_534, %select_n3A_527 : vector<16xf32>
      %select_n3A_536 = arith.select %gt3A_535, %gather3A_534, %select_n3A_527 : vector<16xi1>, vector<16xf32>
      %jit3A_537 = arith.constant 39 : i32
      %broadcast_in_dim3A_538 = vector.broadcast %jit3A_537 : i32 to vector<16xi32>
      %select_n3A_539 = arith.select %gt3A_535, %broadcast_in_dim3A_538, %select_n3A_530 : vector<16xi1>, vector<16xi32>
      %add3A_540 = arith.constant 40 : i32
      %add3A_541 = vector.broadcast %add3A_540 : i32 to vector<16xi32>
      %add3A_542 = arith.addi %mul3A_157, %add3A_541 : vector<16xi32>
      %gather3A_543 = tpu.vector_load_idx %arg5[%add3A_542] : memref<43520xf32, #tpu.memory_space<vmem>>[vector<16xi32>], vector<16xf32>,
      %gt3A_544 = arith.cmpf ogt, %gather3A_543, %select_n3A_536 : vector<16xf32>
      %select_n3A_545 = arith.select %gt3A_544, %gather3A_543, %select_n3A_536 : vector<16xi1>, vector<16xf32>
      %jit3A_546 = arith.constant 40 : i32
      %broadcast_in_dim3A_547 = vector.broadcast %jit3A_546 : i32 to vector<16xi32>
      %select_n3A_548 = arith.select %gt3A_544, %broadcast_in_dim3A_547, %select_n3A_539 : vector<16xi1>, vector<16xi32>
      %mul3A_549 = arith.constant 16 : i32
      %mul3A_550 = arith.muli %scan3A_149, %mul3A_549 : i32
      %mul3A_551 = arith.constant 9 : i32
      %mul3A_552 = arith.muli %mul3A_550, %mul3A_551 : i32
      %add3A_553 = arith.constant 6 : i32
      %add3A_554 = arith.addi %mul3A_552, %add3A_553 : i32
      %add3A_555 = vector.broadcast %add3A_554 : i32 to vector<16xi32>
      %add3A_556 = arith.addi %add3A_555, %mul3A_5 : vector<16xi32>
      tpu.vector_store_idx %arg6[%add3A_556], %select_n3A_548 : memref<4608xi32, #tpu.memory_space<vmem>>[vector<16xi32>], vector<16xi32>,
      %add3A_557 = arith.constant 41 : i32
      %add3A_558 = vector.broadcast %add3A_557 : i32 to vector<16xi32>
      %add3A_559 = arith.addi %mul3A_157, %add3A_558 : vector<16xi32>
      %gather3A_560 = tpu.vector_load_idx %arg5[%add3A_559] : memref<43520xf32, #tpu.memory_space<vmem>>[vector<16xi32>], vector<16xf32>,
      %broadcast_in_dim3A_561 = arith.constant 41 : i32
      %broadcast_in_dim3A_562 = vector.broadcast %broadcast_in_dim3A_561 : i32 to vector<16xi32>
      %add3A_563 = arith.constant 42 : i32
      %add3A_564 = vector.broadcast %add3A_563 : i32 to vector<16xi32>
      %add3A_565 = arith.addi %mul3A_157, %add3A_564 : vector<16xi32>
      %gather3A_566 = tpu.vector_load_idx %arg5[%add3A_565] : memref<43520xf32, #tpu.memory_space<vmem>>[vector<16xi32>], vector<16xf32>,
      %gt3A_567 = arith.cmpf ogt, %gather3A_566, %gather3A_560 : vector<16xf32>
      %select_n3A_568 = arith.select %gt3A_567, %gather3A_566, %gather3A_560 : vector<16xi1>, vector<16xf32>
      %jit3A_569 = arith.constant 42 : i32
      %broadcast_in_dim3A_570 = vector.broadcast %jit3A_569 : i32 to vector<16xi32>
      %select_n3A_571 = arith.select %gt3A_567, %broadcast_in_dim3A_570, %broadcast_in_dim3A_562 : vector<16xi1>, vector<16xi32>
      %add3A_572 = arith.constant 43 : i32
      %add3A_573 = vector.broadcast %add3A_572 : i32 to vector<16xi32>
      %add3A_574 = arith.addi %mul3A_157, %add3A_573 : vector<16xi32>
      %gather3A_575 = tpu.vector_load_idx %arg5[%add3A_574] : memref<43520xf32, #tpu.memory_space<vmem>>[vector<16xi32>], vector<16xf32>,
      %gt3A_576 = arith.cmpf ogt, %gather3A_575, %select_n3A_568 : vector<16xf32>
      %select_n3A_577 = arith.select %gt3A_576, %gather3A_575, %select_n3A_568 : vector<16xi1>, vector<16xf32>
      %jit3A_578 = arith.constant 43 : i32
      %broadcast_in_dim3A_579 = vector.broadcast %jit3A_578 : i32 to vector<16xi32>
      %select_n3A_580 = arith.select %gt3A_576, %broadcast_in_dim3A_579, %select_n3A_571 : vector<16xi1>, vector<16xi32>
      %add3A_581 = arith.constant 44 : i32
      %add3A_582 = vector.broadcast %add3A_581 : i32 to vector<16xi32>
      %add3A_583 = arith.addi %mul3A_157, %add3A_582 : vector<16xi32>
      %gather3A_584 = tpu.vector_load_idx %arg5[%add3A_583] : memref<43520xf32, #tpu.memory_space<vmem>>[vector<16xi32>], vector<16xf32>,
      %gt3A_585 = arith.cmpf ogt, %gather3A_584, %select_n3A_577 : vector<16xf32>
      %select_n3A_586 = arith.select %gt3A_585, %gather3A_584, %select_n3A_577 : vector<16xi1>, vector<16xf32>
      %jit3A_587 = arith.constant 44 : i32
      %broadcast_in_dim3A_588 = vector.broadcast %jit3A_587 : i32 to vector<16xi32>
      %select_n3A_589 = arith.select %gt3A_585, %broadcast_in_dim3A_588, %select_n3A_580 : vector<16xi1>, vector<16xi32>
      %add3A_590 = arith.constant 45 : i32
      %add3A_591 = vector.broadcast %add3A_590 : i32 to vector<16xi32>
      %add3A_592 = arith.addi %mul3A_157, %add3A_591 : vector<16xi32>
      %gather3A_593 = tpu.vector_load_idx %arg5[%add3A_592] : memref<43520xf32, #tpu.memory_space<vmem>>[vector<16xi32>], vector<16xf32>,
      %gt3A_594 = arith.cmpf ogt, %gather3A_593, %select_n3A_586 : vector<16xf32>
      %select_n3A_595 = arith.select %gt3A_594, %gather3A_593, %select_n3A_586 : vector<16xi1>, vector<16xf32>
      %jit3A_596 = arith.constant 45 : i32
      %broadcast_in_dim3A_597 = vector.broadcast %jit3A_596 : i32 to vector<16xi32>
      %select_n3A_598 = arith.select %gt3A_594, %broadcast_in_dim3A_597, %select_n3A_589 : vector<16xi1>, vector<16xi32>
      %add3A_599 = arith.constant 46 : i32
      %add3A_600 = vector.broadcast %add3A_599 : i32 to vector<16xi32>
      %add3A_601 = arith.addi %mul3A_157, %add3A_600 : vector<16xi32>
      %gather3A_602 = tpu.vector_load_idx %arg5[%add3A_601] : memref<43520xf32, #tpu.memory_space<vmem>>[vector<16xi32>], vector<16xf32>,
      %gt3A_603 = arith.cmpf ogt, %gather3A_602, %select_n3A_595 : vector<16xf32>
      %select_n3A_604 = arith.select %gt3A_603, %gather3A_602, %select_n3A_595 : vector<16xi1>, vector<16xf32>
      %jit3A_605 = arith.constant 46 : i32
      %broadcast_in_dim3A_606 = vector.broadcast %jit3A_605 : i32 to vector<16xi32>
      %select_n3A_607 = arith.select %gt3A_603, %broadcast_in_dim3A_606, %select_n3A_598 : vector<16xi1>, vector<16xi32>
      %add3A_608 = arith.constant 47 : i32
      %add3A_609 = vector.broadcast %add3A_608 : i32 to vector<16xi32>
      %add3A_610 = arith.addi %mul3A_157, %add3A_609 : vector<16xi32>
      %gather3A_611 = tpu.vector_load_idx %arg5[%add3A_610] : memref<43520xf32, #tpu.memory_space<vmem>>[vector<16xi32>], vector<16xf32>,
      %gt3A_612 = arith.cmpf ogt, %gather3A_611, %select_n3A_604 : vector<16xf32>
      %select_n3A_613 = arith.select %gt3A_612, %gather3A_611, %select_n3A_604 : vector<16xi1>, vector<16xf32>
      %jit3A_614 = arith.constant 47 : i32
      %broadcast_in_dim3A_615 = vector.broadcast %jit3A_614 : i32 to vector<16xi32>
      %select_n3A_616 = arith.select %gt3A_612, %broadcast_in_dim3A_615, %select_n3A_607 : vector<16xi1>, vector<16xi32>
      %add3A_617 = arith.constant 48 : i32
      %add3A_618 = vector.broadcast %add3A_617 : i32 to vector<16xi32>
      %add3A_619 = arith.addi %mul3A_157, %add3A_618 : vector<16xi32>
      %gather3A_620 = tpu.vector_load_idx %arg5[%add3A_619] : memref<43520xf32, #tpu.memory_space<vmem>>[vector<16xi32>], vector<16xf32>,
      %gt3A_621 = arith.cmpf ogt, %gather3A_620, %select_n3A_613 : vector<16xf32>
      %select_n3A_622 = arith.select %gt3A_621, %gather3A_620, %select_n3A_613 : vector<16xi1>, vector<16xf32>
      %jit3A_623 = arith.constant 48 : i32
      %broadcast_in_dim3A_624 = vector.broadcast %jit3A_623 : i32 to vector<16xi32>
      %select_n3A_625 = arith.select %gt3A_621, %broadcast_in_dim3A_624, %select_n3A_616 : vector<16xi1>, vector<16xi32>
      %add3A_626 = arith.constant 49 : i32
      %add3A_627 = vector.broadcast %add3A_626 : i32 to vector<16xi32>
      %add3A_628 = arith.addi %mul3A_157, %add3A_627 : vector<16xi32>
      %gather3A_629 = tpu.vector_load_idx %arg5[%add3A_628] : memref<43520xf32, #tpu.memory_space<vmem>>[vector<16xi32>], vector<16xf32>,
      %gt3A_630 = arith.cmpf ogt, %gather3A_629, %select_n3A_622 : vector<16xf32>
      %select_n3A_631 = arith.select %gt3A_630, %gather3A_629, %select_n3A_622 : vector<16xi1>, vector<16xf32>
      %jit3A_632 = arith.constant 49 : i32
      %broadcast_in_dim3A_633 = vector.broadcast %jit3A_632 : i32 to vector<16xi32>
      %select_n3A_634 = arith.select %gt3A_630, %broadcast_in_dim3A_633, %select_n3A_625 : vector<16xi1>, vector<16xi32>
      %add3A_635 = arith.constant 50 : i32
      %add3A_636 = vector.broadcast %add3A_635 : i32 to vector<16xi32>
      %add3A_637 = arith.addi %mul3A_157, %add3A_636 : vector<16xi32>
      %gather3A_638 = tpu.vector_load_idx %arg5[%add3A_637] : memref<43520xf32, #tpu.memory_space<vmem>>[vector<16xi32>], vector<16xf32>,
      %gt3A_639 = arith.cmpf ogt, %gather3A_638, %select_n3A_631 : vector<16xf32>
      %select_n3A_640 = arith.select %gt3A_639, %gather3A_638, %select_n3A_631 : vector<16xi1>, vector<16xf32>
      %jit3A_641 = arith.constant 50 : i32
      %broadcast_in_dim3A_642 = vector.broadcast %jit3A_641 : i32 to vector<16xi32>
      %select_n3A_643 = arith.select %gt3A_639, %broadcast_in_dim3A_642, %select_n3A_634 : vector<16xi1>, vector<16xi32>
      %add3A_644 = arith.constant 51 : i32
      %add3A_645 = vector.broadcast %add3A_644 : i32 to vector<16xi32>
      %add3A_646 = arith.addi %mul3A_157, %add3A_645 : vector<16xi32>
      %gather3A_647 = tpu.vector_load_idx %arg5[%add3A_646] : memref<43520xf32, #tpu.memory_space<vmem>>[vector<16xi32>], vector<16xf32>,
      %gt3A_648 = arith.cmpf ogt, %gather3A_647, %select_n3A_640 : vector<16xf32>
      %select_n3A_649 = arith.select %gt3A_648, %gather3A_647, %select_n3A_640 : vector<16xi1>, vector<16xf32>
      %jit3A_650 = arith.constant 51 : i32
      %broadcast_in_dim3A_651 = vector.broadcast %jit3A_650 : i32 to vector<16xi32>
      %select_n3A_652 = arith.select %gt3A_648, %broadcast_in_dim3A_651, %select_n3A_643 : vector<16xi1>, vector<16xi32>
      %add3A_653 = arith.constant 52 : i32
      %add3A_654 = vector.broadcast %add3A_653 : i32 to vector<16xi32>
      %add3A_655 = arith.addi %mul3A_157, %add3A_654 : vector<16xi32>
      %gather3A_656 = tpu.vector_load_idx %arg5[%add3A_655] : memref<43520xf32, #tpu.memory_space<vmem>>[vector<16xi32>], vector<16xf32>,
      %gt3A_657 = arith.cmpf ogt, %gather3A_656, %select_n3A_649 : vector<16xf32>
      %select_n3A_658 = arith.select %gt3A_657, %gather3A_656, %select_n3A_649 : vector<16xi1>, vector<16xf32>
      %jit3A_659 = arith.constant 52 : i32
      %broadcast_in_dim3A_660 = vector.broadcast %jit3A_659 : i32 to vector<16xi32>
      %select_n3A_661 = arith.select %gt3A_657, %broadcast_in_dim3A_660, %select_n3A_652 : vector<16xi1>, vector<16xi32>
      %add3A_662 = arith.constant 53 : i32
      %add3A_663 = vector.broadcast %add3A_662 : i32 to vector<16xi32>
      %add3A_664 = arith.addi %mul3A_157, %add3A_663 : vector<16xi32>
      %gather3A_665 = tpu.vector_load_idx %arg5[%add3A_664] : memref<43520xf32, #tpu.memory_space<vmem>>[vector<16xi32>], vector<16xf32>,
      %gt3A_666 = arith.cmpf ogt, %gather3A_665, %select_n3A_658 : vector<16xf32>
      %select_n3A_667 = arith.select %gt3A_666, %gather3A_665, %select_n3A_658 : vector<16xi1>, vector<16xf32>
      %jit3A_668 = arith.constant 53 : i32
      %broadcast_in_dim3A_669 = vector.broadcast %jit3A_668 : i32 to vector<16xi32>
      %select_n3A_670 = arith.select %gt3A_666, %broadcast_in_dim3A_669, %select_n3A_661 : vector<16xi1>, vector<16xi32>
      %add3A_671 = arith.constant 54 : i32
      %add3A_672 = vector.broadcast %add3A_671 : i32 to vector<16xi32>
      %add3A_673 = arith.addi %mul3A_157, %add3A_672 : vector<16xi32>
      %gather3A_674 = tpu.vector_load_idx %arg5[%add3A_673] : memref<43520xf32, #tpu.memory_space<vmem>>[vector<16xi32>], vector<16xf32>,
      %gt3A_675 = arith.cmpf ogt, %gather3A_674, %select_n3A_667 : vector<16xf32>
      %select_n3A_676 = arith.select %gt3A_675, %gather3A_674, %select_n3A_667 : vector<16xi1>, vector<16xf32>
      %jit3A_677 = arith.constant 54 : i32
      %broadcast_in_dim3A_678 = vector.broadcast %jit3A_677 : i32 to vector<16xi32>
      %select_n3A_679 = arith.select %gt3A_675, %broadcast_in_dim3A_678, %select_n3A_670 : vector<16xi1>, vector<16xi32>
      %add3A_680 = arith.constant 55 : i32
      %add3A_681 = vector.broadcast %add3A_680 : i32 to vector<16xi32>
      %add3A_682 = arith.addi %mul3A_157, %add3A_681 : vector<16xi32>
      %gather3A_683 = tpu.vector_load_idx %arg5[%add3A_682] : memref<43520xf32, #tpu.memory_space<vmem>>[vector<16xi32>], vector<16xf32>,
      %gt3A_684 = arith.cmpf ogt, %gather3A_683, %select_n3A_676 : vector<16xf32>
      %select_n3A_685 = arith.select %gt3A_684, %gather3A_683, %select_n3A_676 : vector<16xi1>, vector<16xf32>
      %jit3A_686 = arith.constant 55 : i32
      %broadcast_in_dim3A_687 = vector.broadcast %jit3A_686 : i32 to vector<16xi32>
      %select_n3A_688 = arith.select %gt3A_684, %broadcast_in_dim3A_687, %select_n3A_679 : vector<16xi1>, vector<16xi32>
      %add3A_689 = arith.constant 56 : i32
      %add3A_690 = vector.broadcast %add3A_689 : i32 to vector<16xi32>
      %add3A_691 = arith.addi %mul3A_157, %add3A_690 : vector<16xi32>
      %gather3A_692 = tpu.vector_load_idx %arg5[%add3A_691] : memref<43520xf32, #tpu.memory_space<vmem>>[vector<16xi32>], vector<16xf32>,
      %gt3A_693 = arith.cmpf ogt, %gather3A_692, %select_n3A_685 : vector<16xf32>
      %select_n3A_694 = arith.select %gt3A_693, %gather3A_692, %select_n3A_685 : vector<16xi1>, vector<16xf32>
      %jit3A_695 = arith.constant 56 : i32
      %broadcast_in_dim3A_696 = vector.broadcast %jit3A_695 : i32 to vector<16xi32>
      %select_n3A_697 = arith.select %gt3A_693, %broadcast_in_dim3A_696, %select_n3A_688 : vector<16xi1>, vector<16xi32>
      %add3A_698 = arith.constant 57 : i32
      %add3A_699 = vector.broadcast %add3A_698 : i32 to vector<16xi32>
      %add3A_700 = arith.addi %mul3A_157, %add3A_699 : vector<16xi32>
      %gather3A_701 = tpu.vector_load_idx %arg5[%add3A_700] : memref<43520xf32, #tpu.memory_space<vmem>>[vector<16xi32>], vector<16xf32>,
      %gt3A_702 = arith.cmpf ogt, %gather3A_701, %select_n3A_694 : vector<16xf32>
      %select_n3A_703 = arith.select %gt3A_702, %gather3A_701, %select_n3A_694 : vector<16xi1>, vector<16xf32>
      %jit3A_704 = arith.constant 57 : i32
      %broadcast_in_dim3A_705 = vector.broadcast %jit3A_704 : i32 to vector<16xi32>
      %select_n3A_706 = arith.select %gt3A_702, %broadcast_in_dim3A_705, %select_n3A_697 : vector<16xi1>, vector<16xi32>
      %add3A_707 = arith.constant 58 : i32
      %add3A_708 = vector.broadcast %add3A_707 : i32 to vector<16xi32>
      %add3A_709 = arith.addi %mul3A_157, %add3A_708 : vector<16xi32>
      %gather3A_710 = tpu.vector_load_idx %arg5[%add3A_709] : memref<43520xf32, #tpu.memory_space<vmem>>[vector<16xi32>], vector<16xf32>,
      %gt3A_711 = arith.cmpf ogt, %gather3A_710, %select_n3A_703 : vector<16xf32>
      %select_n3A_712 = arith.select %gt3A_711, %gather3A_710, %select_n3A_703 : vector<16xi1>, vector<16xf32>
      %jit3A_713 = arith.constant 58 : i32
      %broadcast_in_dim3A_714 = vector.broadcast %jit3A_713 : i32 to vector<16xi32>
      %select_n3A_715 = arith.select %gt3A_711, %broadcast_in_dim3A_714, %select_n3A_706 : vector<16xi1>, vector<16xi32>
      %add3A_716 = arith.constant 59 : i32
      %add3A_717 = vector.broadcast %add3A_716 : i32 to vector<16xi32>
      %add3A_718 = arith.addi %mul3A_157, %add3A_717 : vector<16xi32>
      %gather3A_719 = tpu.vector_load_idx %arg5[%add3A_718] : memref<43520xf32, #tpu.memory_space<vmem>>[vector<16xi32>], vector<16xf32>,
      %gt3A_720 = arith.cmpf ogt, %gather3A_719, %select_n3A_712 : vector<16xf32>
      %select_n3A_721 = arith.select %gt3A_720, %gather3A_719, %select_n3A_712 : vector<16xi1>, vector<16xf32>
      %jit3A_722 = arith.constant 59 : i32
      %broadcast_in_dim3A_723 = vector.broadcast %jit3A_722 : i32 to vector<16xi32>
      %select_n3A_724 = arith.select %gt3A_720, %broadcast_in_dim3A_723, %select_n3A_715 : vector<16xi1>, vector<16xi32>
      %add3A_725 = arith.constant 60 : i32
      %add3A_726 = vector.broadcast %add3A_725 : i32 to vector<16xi32>
      %add3A_727 = arith.addi %mul3A_157, %add3A_726 : vector<16xi32>
      %gather3A_728 = tpu.vector_load_idx %arg5[%add3A_727] : memref<43520xf32, #tpu.memory_space<vmem>>[vector<16xi32>], vector<16xf32>,
      %gt3A_729 = arith.cmpf ogt, %gather3A_728, %select_n3A_721 : vector<16xf32>
      %select_n3A_730 = arith.select %gt3A_729, %gather3A_728, %select_n3A_721 : vector<16xi1>, vector<16xf32>
      %jit3A_731 = arith.constant 60 : i32
      %broadcast_in_dim3A_732 = vector.broadcast %jit3A_731 : i32 to vector<16xi32>
      %select_n3A_733 = arith.select %gt3A_729, %broadcast_in_dim3A_732, %select_n3A_724 : vector<16xi1>, vector<16xi32>
      %add3A_734 = arith.constant 61 : i32
      %add3A_735 = vector.broadcast %add3A_734 : i32 to vector<16xi32>
      %add3A_736 = arith.addi %mul3A_157, %add3A_735 : vector<16xi32>
      %gather3A_737 = tpu.vector_load_idx %arg5[%add3A_736] : memref<43520xf32, #tpu.memory_space<vmem>>[vector<16xi32>], vector<16xf32>,
      %gt3A_738 = arith.cmpf ogt, %gather3A_737, %select_n3A_730 : vector<16xf32>
      %select_n3A_739 = arith.select %gt3A_738, %gather3A_737, %select_n3A_730 : vector<16xi1>, vector<16xf32>
      %jit3A_740 = arith.constant 61 : i32
      %broadcast_in_dim3A_741 = vector.broadcast %jit3A_740 : i32 to vector<16xi32>
      %select_n3A_742 = arith.select %gt3A_738, %broadcast_in_dim3A_741, %select_n3A_733 : vector<16xi1>, vector<16xi32>
      %add3A_743 = arith.constant 62 : i32
      %add3A_744 = vector.broadcast %add3A_743 : i32 to vector<16xi32>
      %add3A_745 = arith.addi %mul3A_157, %add3A_744 : vector<16xi32>
      %gather3A_746 = tpu.vector_load_idx %arg5[%add3A_745] : memref<43520xf32, #tpu.memory_space<vmem>>[vector<16xi32>], vector<16xf32>,
      %gt3A_747 = arith.cmpf ogt, %gather3A_746, %select_n3A_739 : vector<16xf32>
      %select_n3A_748 = arith.select %gt3A_747, %gather3A_746, %select_n3A_739 : vector<16xi1>, vector<16xf32>
      %jit3A_749 = arith.constant 62 : i32
      %broadcast_in_dim3A_750 = vector.broadcast %jit3A_749 : i32 to vector<16xi32>
      %select_n3A_751 = arith.select %gt3A_747, %broadcast_in_dim3A_750, %select_n3A_742 : vector<16xi1>, vector<16xi32>
      %add3A_752 = arith.constant 63 : i32
      %add3A_753 = vector.broadcast %add3A_752 : i32 to vector<16xi32>
      %add3A_754 = arith.addi %mul3A_157, %add3A_753 : vector<16xi32>
      %gather3A_755 = tpu.vector_load_idx %arg5[%add3A_754] : memref<43520xf32, #tpu.memory_space<vmem>>[vector<16xi32>], vector<16xf32>,
      %gt3A_756 = arith.cmpf ogt, %gather3A_755, %select_n3A_748 : vector<16xf32>
      %select_n3A_757 = arith.select %gt3A_756, %gather3A_755, %select_n3A_748 : vector<16xi1>, vector<16xf32>
      %jit3A_758 = arith.constant 63 : i32
      %broadcast_in_dim3A_759 = vector.broadcast %jit3A_758 : i32 to vector<16xi32>
      %select_n3A_760 = arith.select %gt3A_756, %broadcast_in_dim3A_759, %select_n3A_751 : vector<16xi1>, vector<16xi32>
      %add3A_761 = arith.constant 64 : i32
      %add3A_762 = vector.broadcast %add3A_761 : i32 to vector<16xi32>
      %add3A_763 = arith.addi %mul3A_157, %add3A_762 : vector<16xi32>
      %gather3A_764 = tpu.vector_load_idx %arg5[%add3A_763] : memref<43520xf32, #tpu.memory_space<vmem>>[vector<16xi32>], vector<16xf32>,
      %gt3A_765 = arith.cmpf ogt, %gather3A_764, %select_n3A_757 : vector<16xf32>
      %select_n3A_766 = arith.select %gt3A_765, %gather3A_764, %select_n3A_757 : vector<16xi1>, vector<16xf32>
      %jit3A_767 = arith.constant 64 : i32
      %broadcast_in_dim3A_768 = vector.broadcast %jit3A_767 : i32 to vector<16xi32>
      %select_n3A_769 = arith.select %gt3A_765, %broadcast_in_dim3A_768, %select_n3A_760 : vector<16xi1>, vector<16xi32>
      %add3A_770 = arith.constant 65 : i32
      %add3A_771 = vector.broadcast %add3A_770 : i32 to vector<16xi32>
      %add3A_772 = arith.addi %mul3A_157, %add3A_771 : vector<16xi32>
      %gather3A_773 = tpu.vector_load_idx %arg5[%add3A_772] : memref<43520xf32, #tpu.memory_space<vmem>>[vector<16xi32>], vector<16xf32>,
      %gt3A_774 = arith.cmpf ogt, %gather3A_773, %select_n3A_766 : vector<16xf32>
      %select_n3A_775 = arith.select %gt3A_774, %gather3A_773, %select_n3A_766 : vector<16xi1>, vector<16xf32>
      %jit3A_776 = arith.constant 65 : i32
      %broadcast_in_dim3A_777 = vector.broadcast %jit3A_776 : i32 to vector<16xi32>
      %select_n3A_778 = arith.select %gt3A_774, %broadcast_in_dim3A_777, %select_n3A_769 : vector<16xi1>, vector<16xi32>
      %add3A_779 = arith.constant 66 : i32
      %add3A_780 = vector.broadcast %add3A_779 : i32 to vector<16xi32>
      %add3A_781 = arith.addi %mul3A_157, %add3A_780 : vector<16xi32>
      %gather3A_782 = tpu.vector_load_idx %arg5[%add3A_781] : memref<43520xf32, #tpu.memory_space<vmem>>[vector<16xi32>], vector<16xf32>,
      %gt3A_783 = arith.cmpf ogt, %gather3A_782, %select_n3A_775 : vector<16xf32>
      %select_n3A_784 = arith.select %gt3A_783, %gather3A_782, %select_n3A_775 : vector<16xi1>, vector<16xf32>
      %jit3A_785 = arith.constant 66 : i32
      %broadcast_in_dim3A_786 = vector.broadcast %jit3A_785 : i32 to vector<16xi32>
      %select_n3A_787 = arith.select %gt3A_783, %broadcast_in_dim3A_786, %select_n3A_778 : vector<16xi1>, vector<16xi32>
      %add3A_788 = arith.constant 67 : i32
      %add3A_789 = vector.broadcast %add3A_788 : i32 to vector<16xi32>
      %add3A_790 = arith.addi %mul3A_157, %add3A_789 : vector<16xi32>
      %gather3A_791 = tpu.vector_load_idx %arg5[%add3A_790] : memref<43520xf32, #tpu.memory_space<vmem>>[vector<16xi32>], vector<16xf32>,
      %gt3A_792 = arith.cmpf ogt, %gather3A_791, %select_n3A_784 : vector<16xf32>
      %select_n3A_793 = arith.select %gt3A_792, %gather3A_791, %select_n3A_784 : vector<16xi1>, vector<16xf32>
      %jit3A_794 = arith.constant 67 : i32
      %broadcast_in_dim3A_795 = vector.broadcast %jit3A_794 : i32 to vector<16xi32>
      %select_n3A_796 = arith.select %gt3A_792, %broadcast_in_dim3A_795, %select_n3A_787 : vector<16xi1>, vector<16xi32>
      %add3A_797 = arith.constant 68 : i32
      %add3A_798 = vector.broadcast %add3A_797 : i32 to vector<16xi32>
      %add3A_799 = arith.addi %mul3A_157, %add3A_798 : vector<16xi32>
      %gather3A_800 = tpu.vector_load_idx %arg5[%add3A_799] : memref<43520xf32, #tpu.memory_space<vmem>>[vector<16xi32>], vector<16xf32>,
      %gt3A_801 = arith.cmpf ogt, %gather3A_800, %select_n3A_793 : vector<16xf32>
      %select_n3A_802 = arith.select %gt3A_801, %gather3A_800, %select_n3A_793 : vector<16xi1>, vector<16xf32>
      %jit3A_803 = arith.constant 68 : i32
      %broadcast_in_dim3A_804 = vector.broadcast %jit3A_803 : i32 to vector<16xi32>
      %select_n3A_805 = arith.select %gt3A_801, %broadcast_in_dim3A_804, %select_n3A_796 : vector<16xi1>, vector<16xi32>
      %add3A_806 = arith.constant 69 : i32
      %add3A_807 = vector.broadcast %add3A_806 : i32 to vector<16xi32>
      %add3A_808 = arith.addi %mul3A_157, %add3A_807 : vector<16xi32>
      %gather3A_809 = tpu.vector_load_idx %arg5[%add3A_808] : memref<43520xf32, #tpu.memory_space<vmem>>[vector<16xi32>], vector<16xf32>,
      %gt3A_810 = arith.cmpf ogt, %gather3A_809, %select_n3A_802 : vector<16xf32>
      %select_n3A_811 = arith.select %gt3A_810, %gather3A_809, %select_n3A_802 : vector<16xi1>, vector<16xf32>
      %jit3A_812 = arith.constant 69 : i32
      %broadcast_in_dim3A_813 = vector.broadcast %jit3A_812 : i32 to vector<16xi32>
      %select_n3A_814 = arith.select %gt3A_810, %broadcast_in_dim3A_813, %select_n3A_805 : vector<16xi1>, vector<16xi32>
      %add3A_815 = arith.constant 70 : i32
      %add3A_816 = vector.broadcast %add3A_815 : i32 to vector<16xi32>
      %add3A_817 = arith.addi %mul3A_157, %add3A_816 : vector<16xi32>
      %gather3A_818 = tpu.vector_load_idx %arg5[%add3A_817] : memref<43520xf32, #tpu.memory_space<vmem>>[vector<16xi32>], vector<16xf32>,
      %gt3A_819 = arith.cmpf ogt, %gather3A_818, %select_n3A_811 : vector<16xf32>
      %select_n3A_820 = arith.select %gt3A_819, %gather3A_818, %select_n3A_811 : vector<16xi1>, vector<16xf32>
      %jit3A_821 = arith.constant 70 : i32
      %broadcast_in_dim3A_822 = vector.broadcast %jit3A_821 : i32 to vector<16xi32>
      %select_n3A_823 = arith.select %gt3A_819, %broadcast_in_dim3A_822, %select_n3A_814 : vector<16xi1>, vector<16xi32>
      %add3A_824 = arith.constant 71 : i32
      %add3A_825 = vector.broadcast %add3A_824 : i32 to vector<16xi32>
      %add3A_826 = arith.addi %mul3A_157, %add3A_825 : vector<16xi32>
      %gather3A_827 = tpu.vector_load_idx %arg5[%add3A_826] : memref<43520xf32, #tpu.memory_space<vmem>>[vector<16xi32>], vector<16xf32>,
      %gt3A_828 = arith.cmpf ogt, %gather3A_827, %select_n3A_820 : vector<16xf32>
      %select_n3A_829 = arith.select %gt3A_828, %gather3A_827, %select_n3A_820 : vector<16xi1>, vector<16xf32>
      %jit3A_830 = arith.constant 71 : i32
      %broadcast_in_dim3A_831 = vector.broadcast %jit3A_830 : i32 to vector<16xi32>
      %select_n3A_832 = arith.select %gt3A_828, %broadcast_in_dim3A_831, %select_n3A_823 : vector<16xi1>, vector<16xi32>
      %add3A_833 = arith.constant 72 : i32
      %add3A_834 = vector.broadcast %add3A_833 : i32 to vector<16xi32>
      %add3A_835 = arith.addi %mul3A_157, %add3A_834 : vector<16xi32>
      %gather3A_836 = tpu.vector_load_idx %arg5[%add3A_835] : memref<43520xf32, #tpu.memory_space<vmem>>[vector<16xi32>], vector<16xf32>,
      %gt3A_837 = arith.cmpf ogt, %gather3A_836, %select_n3A_829 : vector<16xf32>
      %select_n3A_838 = arith.select %gt3A_837, %gather3A_836, %select_n3A_829 : vector<16xi1>, vector<16xf32>
      %jit3A_839 = arith.constant 72 : i32
      %broadcast_in_dim3A_840 = vector.broadcast %jit3A_839 : i32 to vector<16xi32>
      %select_n3A_841 = arith.select %gt3A_837, %broadcast_in_dim3A_840, %select_n3A_832 : vector<16xi1>, vector<16xi32>
      %add3A_842 = arith.constant 73 : i32
      %add3A_843 = vector.broadcast %add3A_842 : i32 to vector<16xi32>
      %add3A_844 = arith.addi %mul3A_157, %add3A_843 : vector<16xi32>
      %gather3A_845 = tpu.vector_load_idx %arg5[%add3A_844] : memref<43520xf32, #tpu.memory_space<vmem>>[vector<16xi32>], vector<16xf32>,
      %gt3A_846 = arith.cmpf ogt, %gather3A_845, %select_n3A_838 : vector<16xf32>
      %select_n3A_847 = arith.select %gt3A_846, %gather3A_845, %select_n3A_838 : vector<16xi1>, vector<16xf32>
      %jit3A_848 = arith.constant 73 : i32
      %broadcast_in_dim3A_849 = vector.broadcast %jit3A_848 : i32 to vector<16xi32>
      %select_n3A_850 = arith.select %gt3A_846, %broadcast_in_dim3A_849, %select_n3A_841 : vector<16xi1>, vector<16xi32>
      %add3A_851 = arith.constant 74 : i32
      %add3A_852 = vector.broadcast %add3A_851 : i32 to vector<16xi32>
      %add3A_853 = arith.addi %mul3A_157, %add3A_852 : vector<16xi32>
      %gather3A_854 = tpu.vector_load_idx %arg5[%add3A_853] : memref<43520xf32, #tpu.memory_space<vmem>>[vector<16xi32>], vector<16xf32>,
      %gt3A_855 = arith.cmpf ogt, %gather3A_854, %select_n3A_847 : vector<16xf32>
      %select_n3A_856 = arith.select %gt3A_855, %gather3A_854, %select_n3A_847 : vector<16xi1>, vector<16xf32>
      %jit3A_857 = arith.constant 74 : i32
      %broadcast_in_dim3A_858 = vector.broadcast %jit3A_857 : i32 to vector<16xi32>
      %select_n3A_859 = arith.select %gt3A_855, %broadcast_in_dim3A_858, %select_n3A_850 : vector<16xi1>, vector<16xi32>
      %add3A_860 = arith.constant 75 : i32
      %add3A_861 = vector.broadcast %add3A_860 : i32 to vector<16xi32>
      %add3A_862 = arith.addi %mul3A_157, %add3A_861 : vector<16xi32>
      %gather3A_863 = tpu.vector_load_idx %arg5[%add3A_862] : memref<43520xf32, #tpu.memory_space<vmem>>[vector<16xi32>], vector<16xf32>,
      %gt3A_864 = arith.cmpf ogt, %gather3A_863, %select_n3A_856 : vector<16xf32>
      %select_n3A_865 = arith.select %gt3A_864, %gather3A_863, %select_n3A_856 : vector<16xi1>, vector<16xf32>
      %jit3A_866 = arith.constant 75 : i32
      %broadcast_in_dim3A_867 = vector.broadcast %jit3A_866 : i32 to vector<16xi32>
      %select_n3A_868 = arith.select %gt3A_864, %broadcast_in_dim3A_867, %select_n3A_859 : vector<16xi1>, vector<16xi32>
      %mul3A_869 = arith.constant 16 : i32
      %mul3A_870 = arith.muli %scan3A_149, %mul3A_869 : i32
      %mul3A_871 = arith.constant 9 : i32
      %mul3A_872 = arith.muli %mul3A_870, %mul3A_871 : i32
      %add3A_873 = arith.constant 7 : i32
      %add3A_874 = arith.addi %mul3A_872, %add3A_873 : i32
      %add3A_875 = vector.broadcast %add3A_874 : i32 to vector<16xi32>
      %add3A_876 = arith.addi %add3A_875, %mul3A_5 : vector<16xi32>
      tpu.vector_store_idx %arg6[%add3A_876], %select_n3A_868 : memref<4608xi32, #tpu.memory_space<vmem>>[vector<16xi32>], vector<16xi32>,
      %add3A_877 = arith.constant 76 : i32
      %add3A_878 = vector.broadcast %add3A_877 : i32 to vector<16xi32>
      %add3A_879 = arith.addi %mul3A_157, %add3A_878 : vector<16xi32>
      %gather3A_880 = tpu.vector_load_idx %arg5[%add3A_879] : memref<43520xf32, #tpu.memory_space<vmem>>[vector<16xi32>], vector<16xf32>,
      %broadcast_in_dim3A_881 = arith.constant 76 : i32
      %broadcast_in_dim3A_882 = vector.broadcast %broadcast_in_dim3A_881 : i32 to vector<16xi32>
      %add3A_883 = arith.constant 77 : i32
      %add3A_884 = vector.broadcast %add3A_883 : i32 to vector<16xi32>
      %add3A_885 = arith.addi %mul3A_157, %add3A_884 : vector<16xi32>
      %gather3A_886 = tpu.vector_load_idx %arg5[%add3A_885] : memref<43520xf32, #tpu.memory_space<vmem>>[vector<16xi32>], vector<16xf32>,
      %gt3A_887 = arith.cmpf ogt, %gather3A_886, %gather3A_880 : vector<16xf32>
      %select_n3A_888 = arith.select %gt3A_887, %gather3A_886, %gather3A_880 : vector<16xi1>, vector<16xf32>
      %jit3A_889 = arith.constant 77 : i32
      %broadcast_in_dim3A_890 = vector.broadcast %jit3A_889 : i32 to vector<16xi32>
      %select_n3A_891 = arith.select %gt3A_887, %broadcast_in_dim3A_890, %broadcast_in_dim3A_882 : vector<16xi1>, vector<16xi32>
      %add3A_892 = arith.constant 78 : i32
      %add3A_893 = vector.broadcast %add3A_892 : i32 to vector<16xi32>
      %add3A_894 = arith.addi %mul3A_157, %add3A_893 : vector<16xi32>
      %gather3A_895 = tpu.vector_load_idx %arg5[%add3A_894] : memref<43520xf32, #tpu.memory_space<vmem>>[vector<16xi32>], vector<16xf32>,
      %gt3A_896 = arith.cmpf ogt, %gather3A_895, %select_n3A_888 : vector<16xf32>
      %select_n3A_897 = arith.select %gt3A_896, %gather3A_895, %select_n3A_888 : vector<16xi1>, vector<16xf32>
      %jit3A_898 = arith.constant 78 : i32
      %broadcast_in_dim3A_899 = vector.broadcast %jit3A_898 : i32 to vector<16xi32>
      %select_n3A_900 = arith.select %gt3A_896, %broadcast_in_dim3A_899, %select_n3A_891 : vector<16xi1>, vector<16xi32>
      %add3A_901 = arith.constant 79 : i32
      %add3A_902 = vector.broadcast %add3A_901 : i32 to vector<16xi32>
      %add3A_903 = arith.addi %mul3A_157, %add3A_902 : vector<16xi32>
      %gather3A_904 = tpu.vector_load_idx %arg5[%add3A_903] : memref<43520xf32, #tpu.memory_space<vmem>>[vector<16xi32>], vector<16xf32>,
      %gt3A_905 = arith.cmpf ogt, %gather3A_904, %select_n3A_897 : vector<16xf32>
      %select_n3A_906 = arith.select %gt3A_905, %gather3A_904, %select_n3A_897 : vector<16xi1>, vector<16xf32>
      %jit3A_907 = arith.constant 79 : i32
      %broadcast_in_dim3A_908 = vector.broadcast %jit3A_907 : i32 to vector<16xi32>
      %select_n3A_909 = arith.select %gt3A_905, %broadcast_in_dim3A_908, %select_n3A_900 : vector<16xi1>, vector<16xi32>
      %add3A_910 = arith.constant 80 : i32
      %add3A_911 = vector.broadcast %add3A_910 : i32 to vector<16xi32>
      %add3A_912 = arith.addi %mul3A_157, %add3A_911 : vector<16xi32>
      %gather3A_913 = tpu.vector_load_idx %arg5[%add3A_912] : memref<43520xf32, #tpu.memory_space<vmem>>[vector<16xi32>], vector<16xf32>,
      %gt3A_914 = arith.cmpf ogt, %gather3A_913, %select_n3A_906 : vector<16xf32>
      %select_n3A_915 = arith.select %gt3A_914, %gather3A_913, %select_n3A_906 : vector<16xi1>, vector<16xf32>
      %jit3A_916 = arith.constant 80 : i32
      %broadcast_in_dim3A_917 = vector.broadcast %jit3A_916 : i32 to vector<16xi32>
      %select_n3A_918 = arith.select %gt3A_914, %broadcast_in_dim3A_917, %select_n3A_909 : vector<16xi1>, vector<16xi32>
      %add3A_919 = arith.constant 81 : i32
      %add3A_920 = vector.broadcast %add3A_919 : i32 to vector<16xi32>
      %add3A_921 = arith.addi %mul3A_157, %add3A_920 : vector<16xi32>
      %gather3A_922 = tpu.vector_load_idx %arg5[%add3A_921] : memref<43520xf32, #tpu.memory_space<vmem>>[vector<16xi32>], vector<16xf32>,
      %gt3A_923 = arith.cmpf ogt, %gather3A_922, %select_n3A_915 : vector<16xf32>
      %select_n3A_924 = arith.select %gt3A_923, %gather3A_922, %select_n3A_915 : vector<16xi1>, vector<16xf32>
      %jit3A_925 = arith.constant 81 : i32
      %broadcast_in_dim3A_926 = vector.broadcast %jit3A_925 : i32 to vector<16xi32>
      %select_n3A_927 = arith.select %gt3A_923, %broadcast_in_dim3A_926, %select_n3A_918 : vector<16xi1>, vector<16xi32>
      %add3A_928 = arith.constant 82 : i32
      %add3A_929 = vector.broadcast %add3A_928 : i32 to vector<16xi32>
      %add3A_930 = arith.addi %mul3A_157, %add3A_929 : vector<16xi32>
      %gather3A_931 = tpu.vector_load_idx %arg5[%add3A_930] : memref<43520xf32, #tpu.memory_space<vmem>>[vector<16xi32>], vector<16xf32>,
      %gt3A_932 = arith.cmpf ogt, %gather3A_931, %select_n3A_924 : vector<16xf32>
      %select_n3A_933 = arith.select %gt3A_932, %gather3A_931, %select_n3A_924 : vector<16xi1>, vector<16xf32>
      %jit3A_934 = arith.constant 82 : i32
      %broadcast_in_dim3A_935 = vector.broadcast %jit3A_934 : i32 to vector<16xi32>
      %select_n3A_936 = arith.select %gt3A_932, %broadcast_in_dim3A_935, %select_n3A_927 : vector<16xi1>, vector<16xi32>
      %add3A_937 = arith.constant 83 : i32
      %add3A_938 = vector.broadcast %add3A_937 : i32 to vector<16xi32>
      %add3A_939 = arith.addi %mul3A_157, %add3A_938 : vector<16xi32>
      %gather3A_940 = tpu.vector_load_idx %arg5[%add3A_939] : memref<43520xf32, #tpu.memory_space<vmem>>[vector<16xi32>], vector<16xf32>,
      %gt3A_941 = arith.cmpf ogt, %gather3A_940, %select_n3A_933 : vector<16xf32>
      %select_n3A_942 = arith.select %gt3A_941, %gather3A_940, %select_n3A_933 : vector<16xi1>, vector<16xf32>
      %jit3A_943 = arith.constant 83 : i32
      %broadcast_in_dim3A_944 = vector.broadcast %jit3A_943 : i32 to vector<16xi32>
      %select_n3A_945 = arith.select %gt3A_941, %broadcast_in_dim3A_944, %select_n3A_936 : vector<16xi1>, vector<16xi32>
      %add3A_946 = arith.constant 84 : i32
      %add3A_947 = vector.broadcast %add3A_946 : i32 to vector<16xi32>
      %add3A_948 = arith.addi %mul3A_157, %add3A_947 : vector<16xi32>
      %gather3A_949 = tpu.vector_load_idx %arg5[%add3A_948] : memref<43520xf32, #tpu.memory_space<vmem>>[vector<16xi32>], vector<16xf32>,
      %gt3A_950 = arith.cmpf ogt, %gather3A_949, %select_n3A_942 : vector<16xf32>
      %select_n3A_951 = arith.select %gt3A_950, %gather3A_949, %select_n3A_942 : vector<16xi1>, vector<16xf32>
      %jit3A_952 = arith.constant 84 : i32
      %broadcast_in_dim3A_953 = vector.broadcast %jit3A_952 : i32 to vector<16xi32>
      %select_n3A_954 = arith.select %gt3A_950, %broadcast_in_dim3A_953, %select_n3A_945 : vector<16xi1>, vector<16xi32>
      %mul3A_955 = arith.constant 16 : i32
      %mul3A_956 = arith.muli %scan3A_149, %mul3A_955 : i32
      %mul3A_957 = arith.constant 9 : i32
      %mul3A_958 = arith.muli %mul3A_956, %mul3A_957 : i32
      %add3A_959 = arith.constant 8 : i32
      %add3A_960 = arith.addi %mul3A_958, %add3A_959 : i32
      %add3A_961 = vector.broadcast %add3A_960 : i32 to vector<16xi32>
      %add3A_962 = arith.addi %add3A_961, %mul3A_5 : vector<16xi32>
      tpu.vector_store_idx %arg6[%add3A_962], %select_n3A_954 : memref<4608xi32, #tpu.memory_space<vmem>>[vector<16xi32>], vector<16xi32>,
      %scan3A_963 = arith.constant 0 : i32
      scf.yield %scan3A_963 : i32
    }
    %scan3A_15 = arith.constant 32 : i32
    %barrier3A = arith.constant 0 : index
    tpu.barrier barrier_id(%barrier3A)
    %dma_start3A = arith.constant 0 : i32
    %dma_start3A_16 = arith.constant 0 : i32
    %dma_start3A_17 = tpu.memref_slice %arg7[%dma_start3A, %dma_start3A_16] : memref<288x64xf32, #tpu.memory_space<vmem>> -> memref<128x64xf32, #tpu.memory_space<vmem>>
    %dma_start3A_18 = arith.constant 0 : i32
    %dma_start3A_19 = tpu.memref_slice %arg6[%dma_start3A_18] : memref<4608xi32, #tpu.memory_space<vmem>> -> memref<128xi32, #tpu.memory_space<vmem>>
    %dma_start3A_20 = arith.constant 0 : i32
    %dma_start3A_21 = arith.constant 0 : i32
    %dma_start3A_22 = tpu.memref_slice %arg9[%dma_start3A_20, %dma_start3A_21] : memref<85x64xf32, #tpu.memory_space<vmem_shared>> -> memref<85x64xf32, #tpu.memory_space<vmem_shared>>
    tpu.enqueue_indirect_dma source(%dma_start3A_22 : memref<85x64xf32, #tpu.memory_space<vmem_shared>>) target(%dma_start3A_17 : memref<128x64xf32, #tpu.memory_space<vmem>>) offsets(%dma_start3A_19 : memref<128xi32, #tpu.memory_space<vmem>>) semaphore(%arg10 : memref<!tpu.dma_semaphore, #tpu.memory_space<semaphore_mem>>)
    %dma_start3A_23 = arith.constant 128 : i32
    %dma_start3A_24 = arith.constant 0 : i32
    %dma_start3A_25 = tpu.memref_slice %arg7[%dma_start3A_23, %dma_start3A_24] : memref<288x64xf32, #tpu.memory_space<vmem>> -> memref<128x64xf32, #tpu.memory_space<vmem>>
    %dma_start3A_26 = arith.constant 128 : i32
    %dma_start3A_27 = tpu.memref_slice %arg6[%dma_start3A_26] : memref<4608xi32, #tpu.memory_space<vmem>> -> memref<128xi32, #tpu.memory_space<vmem>>
    %dma_start3A_28 = arith.constant 0 : i32
    %dma_start3A_29 = arith.constant 0 : i32
    %dma_start3A_30 = tpu.memref_slice %arg9[%dma_start3A_28, %dma_start3A_29] : memref<85x64xf32, #tpu.memory_space<vmem_shared>> -> memref<85x64xf32, #tpu.memory_space<vmem_shared>>
    tpu.enqueue_indirect_dma source(%dma_start3A_30 : memref<85x64xf32, #tpu.memory_space<vmem_shared>>) target(%dma_start3A_25 : memref<128x64xf32, #tpu.memory_space<vmem>>) offsets(%dma_start3A_27 : memref<128xi32, #tpu.memory_space<vmem>>) semaphore(%arg10 : memref<!tpu.dma_semaphore, #tpu.memory_space<semaphore_mem>>)
    %dma_start3A_31 = arith.constant 256 : i32
    %dma_start3A_32 = arith.constant 0 : i32
    %dma_start3A_33 = tpu.memref_slice %arg7[%dma_start3A_31, %dma_start3A_32] : memref<288x64xf32, #tpu.memory_space<vmem>> -> memref<32x64xf32, #tpu.memory_space<vmem>>
    %dma_start3A_34 = arith.constant 256 : i32
    %dma_start3A_35 = tpu.memref_slice %arg6[%dma_start3A_34] : memref<4608xi32, #tpu.memory_space<vmem>> -> memref<32xi32, #tpu.memory_space<vmem>>
    %dma_start3A_36 = arith.constant 0 : i32
    %dma_start3A_37 = arith.constant 0 : i32
    %dma_start3A_38 = tpu.memref_slice %arg9[%dma_start3A_36, %dma_start3A_37] : memref<85x64xf32, #tpu.memory_space<vmem_shared>> -> memref<85x64xf32, #tpu.memory_space<vmem_shared>>
    tpu.enqueue_indirect_dma source(%dma_start3A_38 : memref<85x64xf32, #tpu.memory_space<vmem_shared>>) target(%dma_start3A_33 : memref<32x64xf32, #tpu.memory_space<vmem>>) offsets(%dma_start3A_35 : memref<32xi32, #tpu.memory_space<vmem>>) semaphore(%arg10 : memref<!tpu.dma_semaphore, #tpu.memory_space<semaphore_mem>>)
    %dma_wait3A = arith.constant 0 : i32
    %dma_wait3A_39 = arith.constant 0 : i32
    %dma_wait3A_40 = tpu.memref_slice %arg7[%dma_wait3A, %dma_wait3A_39] : memref<288x64xf32, #tpu.memory_space<vmem>> -> memref<128x64xf32, #tpu.memory_space<vmem>>
    %dma_wait3A_41 = arith.constant 0 : i32
    %dma_wait3A_42 = tpu.memref_slice %arg6[%dma_wait3A_41] : memref<4608xi32, #tpu.memory_space<vmem>> -> memref<128xi32, #tpu.memory_space<vmem>>
    %dma_wait3A_43 = arith.constant 0 : i32
    %dma_wait3A_44 = arith.constant 0 : i32
    %dma_wait3A_45 = tpu.memref_slice %arg9[%dma_wait3A_43, %dma_wait3A_44] : memref<85x64xf32, #tpu.memory_space<vmem_shared>> -> memref<85x64xf32, #tpu.memory_space<vmem_shared>>
    tpu.wait_indirect_dma semaphore(%arg10 : memref<!tpu.dma_semaphore, #tpu.memory_space<semaphore_mem>>) src(%dma_wait3A_45 : memref<85x64xf32, #tpu.memory_space<vmem_shared>>) dst(%dma_wait3A_40 : memref<128x64xf32, #tpu.memory_space<vmem>>)
    %dma_wait3A_46 = arith.constant 128 : i32
    %dma_wait3A_47 = arith.constant 0 : i32
    %dma_wait3A_48 = tpu.memref_slice %arg7[%dma_wait3A_46, %dma_wait3A_47] : memref<288x64xf32, #tpu.memory_space<vmem>> -> memref<128x64xf32, #tpu.memory_space<vmem>>
    %dma_wait3A_49 = arith.constant 128 : i32
    %dma_wait3A_50 = tpu.memref_slice %arg6[%dma_wait3A_49] : memref<4608xi32, #tpu.memory_space<vmem>> -> memref<128xi32, #tpu.memory_space<vmem>>
    %dma_wait3A_51 = arith.constant 0 : i32
    %dma_wait3A_52 = arith.constant 0 : i32
    %dma_wait3A_53 = tpu.memref_slice %arg9[%dma_wait3A_51, %dma_wait3A_52] : memref<85x64xf32, #tpu.memory_space<vmem_shared>> -> memref<85x64xf32, #tpu.memory_space<vmem_shared>>
    tpu.wait_indirect_dma semaphore(%arg10 : memref<!tpu.dma_semaphore, #tpu.memory_space<semaphore_mem>>) src(%dma_wait3A_53 : memref<85x64xf32, #tpu.memory_space<vmem_shared>>) dst(%dma_wait3A_48 : memref<128x64xf32, #tpu.memory_space<vmem>>)
    %dma_wait3A_54 = arith.constant 256 : i32
    %dma_wait3A_55 = arith.constant 0 : i32
    %dma_wait3A_56 = tpu.memref_slice %arg7[%dma_wait3A_54, %dma_wait3A_55] : memref<288x64xf32, #tpu.memory_space<vmem>> -> memref<32x64xf32, #tpu.memory_space<vmem>>
    %dma_wait3A_57 = arith.constant 256 : i32
    %dma_wait3A_58 = tpu.memref_slice %arg6[%dma_wait3A_57] : memref<4608xi32, #tpu.memory_space<vmem>> -> memref<32xi32, #tpu.memory_space<vmem>>
    %dma_wait3A_59 = arith.constant 0 : i32
    %dma_wait3A_60 = arith.constant 0 : i32
    %dma_wait3A_61 = tpu.memref_slice %arg9[%dma_wait3A_59, %dma_wait3A_60] : memref<85x64xf32, #tpu.memory_space<vmem_shared>> -> memref<85x64xf32, #tpu.memory_space<vmem_shared>>
    tpu.wait_indirect_dma semaphore(%arg10 : memref<!tpu.dma_semaphore, #tpu.memory_space<semaphore_mem>>) src(%dma_wait3A_61 : memref<85x64xf32, #tpu.memory_space<vmem_shared>>) dst(%dma_wait3A_56 : memref<32x64xf32, #tpu.memory_space<vmem>>)
    %add3A_62 = arith.constant 0 : i32
    %add3A_63 = arith.addi %mul3A_2, %add3A_62 : i32
    %mul3A_64 = arith.constant 9 : i32
    %mul3A_65 = arith.muli %add3A_63, %mul3A_64 : i32
    %dma_start3A_66 = arith.constant 0 : i32
    %dma_start3A_67 = tpu.memref_slice %arg4[%mul3A_65, %dma_start3A_66] : memref<147456x64xf32, #tpu.memory_space<hbm>> -> memref<288x64xf32, #tpu.memory_space<hbm>>
    %dma_start3A_68 = arith.constant 0 : i32
    %dma_start3A_69 = tpu.memref_slice %arg4[%mul3A_65, %dma_start3A_68] : memref<147456x64xf32, #tpu.memory_space<hbm>> -> memref<288x64xf32, #tpu.memory_space<hbm>>
    tpu.enqueue_dma source(%arg7 : memref<288x64xf32, #tpu.memory_space<vmem>>) target(%dma_start3A_69 : memref<288x64xf32, #tpu.memory_space<hbm>>) target_semaphore(%arg12 : memref<!tpu.dma_semaphore, #tpu.memory_space<semaphore_mem>>)
    %dma_start3A_70 = arith.constant 0 : i32
    %dma_start3A_71 = arith.constant 0 : i32
    %dma_start3A_72 = tpu.memref_slice %arg8[%dma_start3A_70, %dma_start3A_71] : memref<288x64xf32, #tpu.memory_space<vmem>> -> memref<128x64xf32, #tpu.memory_space<vmem>>
    %dma_start3A_73 = arith.constant 288 : i32
    %dma_start3A_74 = tpu.memref_slice %arg6[%dma_start3A_73] : memref<4608xi32, #tpu.memory_space<vmem>> -> memref<128xi32, #tpu.memory_space<vmem>>
    %dma_start3A_75 = arith.constant 0 : i32
    %dma_start3A_76 = arith.constant 0 : i32
    %dma_start3A_77 = tpu.memref_slice %arg9[%dma_start3A_75, %dma_start3A_76] : memref<85x64xf32, #tpu.memory_space<vmem_shared>> -> memref<85x64xf32, #tpu.memory_space<vmem_shared>>
    tpu.enqueue_indirect_dma source(%dma_start3A_77 : memref<85x64xf32, #tpu.memory_space<vmem_shared>>) target(%dma_start3A_72 : memref<128x64xf32, #tpu.memory_space<vmem>>) offsets(%dma_start3A_74 : memref<128xi32, #tpu.memory_space<vmem>>) semaphore(%arg11 : memref<!tpu.dma_semaphore, #tpu.memory_space<semaphore_mem>>)
    %dma_start3A_78 = arith.constant 128 : i32
    %dma_start3A_79 = arith.constant 0 : i32
    %dma_start3A_80 = tpu.memref_slice %arg8[%dma_start3A_78, %dma_start3A_79] : memref<288x64xf32, #tpu.memory_space<vmem>> -> memref<128x64xf32, #tpu.memory_space<vmem>>
    %dma_start3A_81 = arith.constant 416 : i32
    %dma_start3A_82 = tpu.memref_slice %arg6[%dma_start3A_81] : memref<4608xi32, #tpu.memory_space<vmem>> -> memref<128xi32, #tpu.memory_space<vmem>>
    %dma_start3A_83 = arith.constant 0 : i32
    %dma_start3A_84 = arith.constant 0 : i32
    %dma_start3A_85 = tpu.memref_slice %arg9[%dma_start3A_83, %dma_start3A_84] : memref<85x64xf32, #tpu.memory_space<vmem_shared>> -> memref<85x64xf32, #tpu.memory_space<vmem_shared>>
    tpu.enqueue_indirect_dma source(%dma_start3A_85 : memref<85x64xf32, #tpu.memory_space<vmem_shared>>) target(%dma_start3A_80 : memref<128x64xf32, #tpu.memory_space<vmem>>) offsets(%dma_start3A_82 : memref<128xi32, #tpu.memory_space<vmem>>) semaphore(%arg11 : memref<!tpu.dma_semaphore, #tpu.memory_space<semaphore_mem>>)
    %dma_start3A_86 = arith.constant 256 : i32
    %dma_start3A_87 = arith.constant 0 : i32
    %dma_start3A_88 = tpu.memref_slice %arg8[%dma_start3A_86, %dma_start3A_87] : memref<288x64xf32, #tpu.memory_space<vmem>> -> memref<32x64xf32, #tpu.memory_space<vmem>>
    %dma_start3A_89 = arith.constant 544 : i32
    %dma_start3A_90 = tpu.memref_slice %arg6[%dma_start3A_89] : memref<4608xi32, #tpu.memory_space<vmem>> -> memref<32xi32, #tpu.memory_space<vmem>>
    %dma_start3A_91 = arith.constant 0 : i32
    %dma_start3A_92 = arith.constant 0 : i32
    %dma_start3A_93 = tpu.memref_slice %arg9[%dma_start3A_91, %dma_start3A_92] : memref<85x64xf32, #tpu.memory_space<vmem_shared>> -> memref<85x64xf32, #tpu.memory_space<vmem_shared>>
    tpu.enqueue_indirect_dma source(%dma_start3A_93 : memref<85x64xf32, #tpu.memory_space<vmem_shared>>) target(%dma_start3A_88 : memref<32x64xf32, #tpu.memory_space<vmem>>) offsets(%dma_start3A_90 : memref<32xi32, #tpu.memory_space<vmem>>) semaphore(%arg11 : memref<!tpu.dma_semaphore, #tpu.memory_space<semaphore_mem>>)
    %dma_wait3A_94 = arith.constant 0 : i32
    %dma_wait3A_95 = arith.constant 0 : i32
    %dma_wait3A_96 = tpu.memref_slice %arg8[%dma_wait3A_94, %dma_wait3A_95] : memref<288x64xf32, #tpu.memory_space<vmem>> -> memref<128x64xf32, #tpu.memory_space<vmem>>
    %dma_wait3A_97 = arith.constant 288 : i32
    %dma_wait3A_98 = tpu.memref_slice %arg6[%dma_wait3A_97] : memref<4608xi32, #tpu.memory_space<vmem>> -> memref<128xi32, #tpu.memory_space<vmem>>
    %dma_wait3A_99 = arith.constant 0 : i32
    %dma_wait3A_100 = arith.constant 0 : i32
    %dma_wait3A_101 = tpu.memref_slice %arg9[%dma_wait3A_99, %dma_wait3A_100] : memref<85x64xf32, #tpu.memory_space<vmem_shared>> -> memref<85x64xf32, #tpu.memory_space<vmem_shared>>
    tpu.wait_indirect_dma semaphore(%arg11 : memref<!tpu.dma_semaphore, #tpu.memory_space<semaphore_mem>>) src(%dma_wait3A_101 : memref<85x64xf32, #tpu.memory_space<vmem_shared>>) dst(%dma_wait3A_96 : memref<128x64xf32, #tpu.memory_space<vmem>>)
    %dma_wait3A_102 = arith.constant 128 : i32
    %dma_wait3A_103 = arith.constant 0 : i32
    %dma_wait3A_104 = tpu.memref_slice %arg8[%dma_wait3A_102, %dma_wait3A_103] : memref<288x64xf32, #tpu.memory_space<vmem>> -> memref<128x64xf32, #tpu.memory_space<vmem>>
    %dma_wait3A_105 = arith.constant 416 : i32
    %dma_wait3A_106 = tpu.memref_slice %arg6[%dma_wait3A_105] : memref<4608xi32, #tpu.memory_space<vmem>> -> memref<128xi32, #tpu.memory_space<vmem>>
    %dma_wait3A_107 = arith.constant 0 : i32
    %dma_wait3A_108 = arith.constant 0 : i32
    %dma_wait3A_109 = tpu.memref_slice %arg9[%dma_wait3A_107, %dma_wait3A_108] : memref<85x64xf32, #tpu.memory_space<vmem_shared>> -> memref<85x64xf32, #tpu.memory_space<vmem_shared>>
    tpu.wait_indirect_dma semaphore(%arg11 : memref<!tpu.dma_semaphore, #tpu.memory_space<semaphore_mem>>) src(%dma_wait3A_109 : memref<85x64xf32, #tpu.memory_space<vmem_shared>>) dst(%dma_wait3A_104 : memref<128x64xf32, #tpu.memory_space<vmem>>)
    %dma_wait3A_110 = arith.constant 256 : i32
    %dma_wait3A_111 = arith.constant 0 : i32
    %dma_wait3A_112 = tpu.memref_slice %arg8[%dma_wait3A_110, %dma_wait3A_111] : memref<288x64xf32, #tpu.memory_space<vmem>> -> memref<32x64xf32, #tpu.memory_space<vmem>>
    %dma_wait3A_113 = arith.constant 544 : i32
    %dma_wait3A_114 = tpu.memref_slice %arg6[%dma_wait3A_113] : memref<4608xi32, #tpu.memory_space<vmem>> -> memref<32xi32, #tpu.memory_space<vmem>>
    %dma_wait3A_115 = arith.constant 0 : i32
    %dma_wait3A_116 = arith.constant 0 : i32
    %dma_wait3A_117 = tpu.memref_slice %arg9[%dma_wait3A_115, %dma_wait3A_116] : memref<85x64xf32, #tpu.memory_space<vmem_shared>> -> memref<85x64xf32, #tpu.memory_space<vmem_shared>>
    tpu.wait_indirect_dma semaphore(%arg11 : memref<!tpu.dma_semaphore, #tpu.memory_space<semaphore_mem>>) src(%dma_wait3A_117 : memref<85x64xf32, #tpu.memory_space<vmem_shared>>) dst(%dma_wait3A_112 : memref<32x64xf32, #tpu.memory_space<vmem>>)
    %add3A_118 = arith.constant 32 : i32
    %add3A_119 = arith.addi %mul3A_2, %add3A_118 : i32
    %mul3A_120 = arith.constant 9 : i32
    %mul3A_121 = arith.muli %add3A_119, %mul3A_120 : i32
    %dma_start3A_122 = arith.constant 0 : i32
    %dma_start3A_123 = tpu.memref_slice %arg4[%mul3A_121, %dma_start3A_122] : memref<147456x64xf32, #tpu.memory_space<hbm>> -> memref<288x64xf32, #tpu.memory_space<hbm>>
    %dma_start3A_124 = arith.constant 0 : i32
    %dma_start3A_125 = tpu.memref_slice %arg4[%mul3A_121, %dma_start3A_124] : memref<147456x64xf32, #tpu.memory_space<hbm>> -> memref<288x64xf32, #tpu.memory_space<hbm>>
    tpu.enqueue_dma source(%arg8 : memref<288x64xf32, #tpu.memory_space<vmem>>) target(%dma_start3A_125 : memref<288x64xf32, #tpu.memory_space<hbm>>) target_semaphore(%arg13 : memref<!tpu.dma_semaphore, #tpu.memory_space<semaphore_mem>>)
    %scan3A_126 = arith.constant 0 : i32
    %scan3A_127 = arith.constant 0 : i32
    %scan3A_128 = arith.constant 7 : i32
    %scan3A_129 = arith.addi %scan3A_127, %scan3A_128 : i32
    %scan3A_130 = arith.constant 1 : i32
    %scan3A_131 = scf.for %scan3A_149 = %scan3A_127 to %scan3A_129 step %scan3A_130 iter_args(%scan3A_150 = %scan3A_126) -> (i32)  : i32 {
      %mul3A_151 = arith.constant 2 : i32
      %mul3A_152 = arith.muli %mul3A_151, %scan3A_149 : i32
      %add3A_153 = arith.constant 2 : i32
      %add3A_154 = arith.addi %mul3A_152, %add3A_153 : i32
      %add3A_155 = arith.constant 0 : i32
      %add3A_156 = arith.addi %add3A_154, %add3A_155 : i32
      %mul3A_157 = arith.constant 32 : i32
      %mul3A_158 = arith.muli %add3A_156, %mul3A_157 : i32
      %add3A_159 = arith.addi %mul3A_2, %mul3A_158 : i32
      %mul3A_160 = arith.constant 9 : i32
      %mul3A_161 = arith.muli %add3A_159, %mul3A_160 : i32
      %dma_wait3A_162 = arith.constant 0 : i32
      %dma_wait3A_163 = tpu.memref_slice %arg4[%mul3A_161, %dma_wait3A_162] : memref<147456x64xf32, #tpu.memory_space<hbm>> -> memref<288x64xf32, #tpu.memory_space<hbm>>
      %dma_wait3A_164 = arith.constant 0 : i32
      %dma_wait3A_165 = tpu.memref_slice %arg4[%mul3A_161, %dma_wait3A_164] : memref<147456x64xf32, #tpu.memory_space<hbm>> -> memref<288x64xf32, #tpu.memory_space<hbm>>
      tpu.wait_dma2 semaphore(%arg12 : memref<!tpu.dma_semaphore, #tpu.memory_space<semaphore_mem>>) src(%arg7 : memref<288x64xf32, #tpu.memory_space<vmem>>) dst(%dma_wait3A_165 : memref<288x64xf32, #tpu.memory_space<hbm>>)
      %mul3A_166 = arith.constant 288 : i32
      %mul3A_167 = arith.muli %add3A_156, %mul3A_166 : i32
      %add3A_168 = arith.constant 0 : i32
      %add3A_169 = arith.addi %mul3A_167, %add3A_168 : i32
      %dma_start3A_170 = arith.constant 0 : i32
      %dma_start3A_171 = arith.constant 0 : i32
      %dma_start3A_172 = tpu.memref_slice %arg7[%dma_start3A_170, %dma_start3A_171] : memref<288x64xf32, #tpu.memory_space<vmem>> -> memref<128x64xf32, #tpu.memory_space<vmem>>
      %dma_start3A_173 = tpu.memref_slice %arg6[%add3A_169] : memref<4608xi32, #tpu.memory_space<vmem>> -> memref<128xi32, #tpu.memory_space<vmem>>
      %dma_start3A_174 = arith.constant 0 : i32
      %dma_start3A_175 = arith.constant 0 : i32
      %dma_start3A_176 = tpu.memref_slice %arg9[%dma_start3A_174, %dma_start3A_175] : memref<85x64xf32, #tpu.memory_space<vmem_shared>> -> memref<85x64xf32, #tpu.memory_space<vmem_shared>>
      tpu.enqueue_indirect_dma source(%dma_start3A_176 : memref<85x64xf32, #tpu.memory_space<vmem_shared>>) target(%dma_start3A_172 : memref<128x64xf32, #tpu.memory_space<vmem>>) offsets(%dma_start3A_173 : memref<128xi32, #tpu.memory_space<vmem>>) semaphore(%arg10 : memref<!tpu.dma_semaphore, #tpu.memory_space<semaphore_mem>>)
      %add3A_177 = arith.constant 128 : i32
      %add3A_178 = arith.addi %mul3A_167, %add3A_177 : i32
      %dma_start3A_179 = arith.constant 128 : i32
      %dma_start3A_180 = arith.constant 0 : i32
      %dma_start3A_181 = tpu.memref_slice %arg7[%dma_start3A_179, %dma_start3A_180] : memref<288x64xf32, #tpu.memory_space<vmem>> -> memref<128x64xf32, #tpu.memory_space<vmem>>
      %dma_start3A_182 = tpu.memref_slice %arg6[%add3A_178] : memref<4608xi32, #tpu.memory_space<vmem>> -> memref<128xi32, #tpu.memory_space<vmem>>
      %dma_start3A_183 = arith.constant 0 : i32
      %dma_start3A_184 = arith.constant 0 : i32
      %dma_start3A_185 = tpu.memref_slice %arg9[%dma_start3A_183, %dma_start3A_184] : memref<85x64xf32, #tpu.memory_space<vmem_shared>> -> memref<85x64xf32, #tpu.memory_space<vmem_shared>>
      tpu.enqueue_indirect_dma source(%dma_start3A_185 : memref<85x64xf32, #tpu.memory_space<vmem_shared>>) target(%dma_start3A_181 : memref<128x64xf32, #tpu.memory_space<vmem>>) offsets(%dma_start3A_182 : memref<128xi32, #tpu.memory_space<vmem>>) semaphore(%arg10 : memref<!tpu.dma_semaphore, #tpu.memory_space<semaphore_mem>>)
      %add3A_186 = arith.constant 256 : i32
      %add3A_187 = arith.addi %mul3A_167, %add3A_186 : i32
      %dma_start3A_188 = arith.constant 256 : i32
      %dma_start3A_189 = arith.constant 0 : i32
      %dma_start3A_190 = tpu.memref_slice %arg7[%dma_start3A_188, %dma_start3A_189] : memref<288x64xf32, #tpu.memory_space<vmem>> -> memref<32x64xf32, #tpu.memory_space<vmem>>
      %dma_start3A_191 = tpu.memref_slice %arg6[%add3A_187] : memref<4608xi32, #tpu.memory_space<vmem>> -> memref<32xi32, #tpu.memory_space<vmem>>
      %dma_start3A_192 = arith.constant 0 : i32
      %dma_start3A_193 = arith.constant 0 : i32
      %dma_start3A_194 = tpu.memref_slice %arg9[%dma_start3A_192, %dma_start3A_193] : memref<85x64xf32, #tpu.memory_space<vmem_shared>> -> memref<85x64xf32, #tpu.memory_space<vmem_shared>>
      tpu.enqueue_indirect_dma source(%dma_start3A_194 : memref<85x64xf32, #tpu.memory_space<vmem_shared>>) target(%dma_start3A_190 : memref<32x64xf32, #tpu.memory_space<vmem>>) offsets(%dma_start3A_191 : memref<32xi32, #tpu.memory_space<vmem>>) semaphore(%arg10 : memref<!tpu.dma_semaphore, #tpu.memory_space<semaphore_mem>>)
      %dma_wait3A_195 = arith.constant 0 : i32
      %dma_wait3A_196 = arith.constant 0 : i32
      %dma_wait3A_197 = tpu.memref_slice %arg7[%dma_wait3A_195, %dma_wait3A_196] : memref<288x64xf32, #tpu.memory_space<vmem>> -> memref<128x64xf32, #tpu.memory_space<vmem>>
      %dma_wait3A_198 = tpu.memref_slice %arg6[%add3A_169] : memref<4608xi32, #tpu.memory_space<vmem>> -> memref<128xi32, #tpu.memory_space<vmem>>
      %dma_wait3A_199 = arith.constant 0 : i32
      %dma_wait3A_200 = arith.constant 0 : i32
      %dma_wait3A_201 = tpu.memref_slice %arg9[%dma_wait3A_199, %dma_wait3A_200] : memref<85x64xf32, #tpu.memory_space<vmem_shared>> -> memref<85x64xf32, #tpu.memory_space<vmem_shared>>
      tpu.wait_indirect_dma semaphore(%arg10 : memref<!tpu.dma_semaphore, #tpu.memory_space<semaphore_mem>>) src(%dma_wait3A_201 : memref<85x64xf32, #tpu.memory_space<vmem_shared>>) dst(%dma_wait3A_197 : memref<128x64xf32, #tpu.memory_space<vmem>>)
      %dma_wait3A_202 = arith.constant 128 : i32
      %dma_wait3A_203 = arith.constant 0 : i32
      %dma_wait3A_204 = tpu.memref_slice %arg7[%dma_wait3A_202, %dma_wait3A_203] : memref<288x64xf32, #tpu.memory_space<vmem>> -> memref<128x64xf32, #tpu.memory_space<vmem>>
      %dma_wait3A_205 = tpu.memref_slice %arg6[%add3A_178] : memref<4608xi32, #tpu.memory_space<vmem>> -> memref<128xi32, #tpu.memory_space<vmem>>
      %dma_wait3A_206 = arith.constant 0 : i32
      %dma_wait3A_207 = arith.constant 0 : i32
      %dma_wait3A_208 = tpu.memref_slice %arg9[%dma_wait3A_206, %dma_wait3A_207] : memref<85x64xf32, #tpu.memory_space<vmem_shared>> -> memref<85x64xf32, #tpu.memory_space<vmem_shared>>
      tpu.wait_indirect_dma semaphore(%arg10 : memref<!tpu.dma_semaphore, #tpu.memory_space<semaphore_mem>>) src(%dma_wait3A_208 : memref<85x64xf32, #tpu.memory_space<vmem_shared>>) dst(%dma_wait3A_204 : memref<128x64xf32, #tpu.memory_space<vmem>>)
      %dma_wait3A_209 = arith.constant 256 : i32
      %dma_wait3A_210 = arith.constant 0 : i32
      %dma_wait3A_211 = tpu.memref_slice %arg7[%dma_wait3A_209, %dma_wait3A_210] : memref<288x64xf32, #tpu.memory_space<vmem>> -> memref<32x64xf32, #tpu.memory_space<vmem>>
      %dma_wait3A_212 = tpu.memref_slice %arg6[%add3A_187] : memref<4608xi32, #tpu.memory_space<vmem>> -> memref<32xi32, #tpu.memory_space<vmem>>
      %dma_wait3A_213 = arith.constant 0 : i32
      %dma_wait3A_214 = arith.constant 0 : i32
      %dma_wait3A_215 = tpu.memref_slice %arg9[%dma_wait3A_213, %dma_wait3A_214] : memref<85x64xf32, #tpu.memory_space<vmem_shared>> -> memref<85x64xf32, #tpu.memory_space<vmem_shared>>
      tpu.wait_indirect_dma semaphore(%arg10 : memref<!tpu.dma_semaphore, #tpu.memory_space<semaphore_mem>>) src(%dma_wait3A_215 : memref<85x64xf32, #tpu.memory_space<vmem_shared>>) dst(%dma_wait3A_211 : memref<32x64xf32, #tpu.memory_space<vmem>>)
      %mul3A_216 = arith.constant 32 : i32
      %mul3A_217 = arith.muli %add3A_156, %mul3A_216 : i32
      %add3A_218 = arith.addi %mul3A_2, %mul3A_217 : i32
      %mul3A_219 = arith.constant 9 : i32
      %mul3A_220 = arith.muli %add3A_218, %mul3A_219 : i32
      %dma_start3A_221 = arith.constant 0 : i32
      %dma_start3A_222 = tpu.memref_slice %arg4[%mul3A_220, %dma_start3A_221] : memref<147456x64xf32, #tpu.memory_space<hbm>> -> memref<288x64xf32, #tpu.memory_space<hbm>>
      %dma_start3A_223 = arith.constant 0 : i32
      %dma_start3A_224 = tpu.memref_slice %arg4[%mul3A_220, %dma_start3A_223] : memref<147456x64xf32, #tpu.memory_space<hbm>> -> memref<288x64xf32, #tpu.memory_space<hbm>>
      tpu.enqueue_dma source(%arg7 : memref<288x64xf32, #tpu.memory_space<vmem>>) target(%dma_start3A_224 : memref<288x64xf32, #tpu.memory_space<hbm>>) target_semaphore(%arg12 : memref<!tpu.dma_semaphore, #tpu.memory_space<semaphore_mem>>)
      %add3A_225 = arith.constant 1 : i32
      %add3A_226 = arith.addi %add3A_154, %add3A_225 : i32
      %mul3A_227 = arith.constant 32 : i32
      %mul3A_228 = arith.muli %add3A_226, %mul3A_227 : i32
      %add3A_229 = arith.addi %mul3A_2, %mul3A_228 : i32
      %mul3A_230 = arith.constant 9 : i32
      %mul3A_231 = arith.muli %add3A_229, %mul3A_230 : i32
      %dma_wait3A_232 = arith.constant 0 : i32
      %dma_wait3A_233 = tpu.memref_slice %arg4[%mul3A_231, %dma_wait3A_232] : memref<147456x64xf32, #tpu.memory_space<hbm>> -> memref<288x64xf32, #tpu.memory_space<hbm>>
      %dma_wait3A_234 = arith.constant 0 : i32
      %dma_wait3A_235 = tpu.memref_slice %arg4[%mul3A_231, %dma_wait3A_234] : memref<147456x64xf32, #tpu.memory_space<hbm>> -> memref<288x64xf32, #tpu.memory_space<hbm>>
      tpu.wait_dma2 semaphore(%arg13 : memref<!tpu.dma_semaphore, #tpu.memory_space<semaphore_mem>>) src(%arg8 : memref<288x64xf32, #tpu.memory_space<vmem>>) dst(%dma_wait3A_235 : memref<288x64xf32, #tpu.memory_space<hbm>>)
      %mul3A_236 = arith.constant 288 : i32
      %mul3A_237 = arith.muli %add3A_226, %mul3A_236 : i32
      %add3A_238 = arith.constant 0 : i32
      %add3A_239 = arith.addi %mul3A_237, %add3A_238 : i32
      %dma_start3A_240 = arith.constant 0 : i32
      %dma_start3A_241 = arith.constant 0 : i32
      %dma_start3A_242 = tpu.memref_slice %arg8[%dma_start3A_240, %dma_start3A_241] : memref<288x64xf32, #tpu.memory_space<vmem>> -> memref<128x64xf32, #tpu.memory_space<vmem>>
      %dma_start3A_243 = tpu.memref_slice %arg6[%add3A_239] : memref<4608xi32, #tpu.memory_space<vmem>> -> memref<128xi32, #tpu.memory_space<vmem>>
      %dma_start3A_244 = arith.constant 0 : i32
      %dma_start3A_245 = arith.constant 0 : i32
      %dma_start3A_246 = tpu.memref_slice %arg9[%dma_start3A_244, %dma_start3A_245] : memref<85x64xf32, #tpu.memory_space<vmem_shared>> -> memref<85x64xf32, #tpu.memory_space<vmem_shared>>
      tpu.enqueue_indirect_dma source(%dma_start3A_246 : memref<85x64xf32, #tpu.memory_space<vmem_shared>>) target(%dma_start3A_242 : memref<128x64xf32, #tpu.memory_space<vmem>>) offsets(%dma_start3A_243 : memref<128xi32, #tpu.memory_space<vmem>>) semaphore(%arg11 : memref<!tpu.dma_semaphore, #tpu.memory_space<semaphore_mem>>)
      %add3A_247 = arith.constant 128 : i32
      %add3A_248 = arith.addi %mul3A_237, %add3A_247 : i32
      %dma_start3A_249 = arith.constant 128 : i32
      %dma_start3A_250 = arith.constant 0 : i32
      %dma_start3A_251 = tpu.memref_slice %arg8[%dma_start3A_249, %dma_start3A_250] : memref<288x64xf32, #tpu.memory_space<vmem>> -> memref<128x64xf32, #tpu.memory_space<vmem>>
      %dma_start3A_252 = tpu.memref_slice %arg6[%add3A_248] : memref<4608xi32, #tpu.memory_space<vmem>> -> memref<128xi32, #tpu.memory_space<vmem>>
      %dma_start3A_253 = arith.constant 0 : i32
      %dma_start3A_254 = arith.constant 0 : i32
      %dma_start3A_255 = tpu.memref_slice %arg9[%dma_start3A_253, %dma_start3A_254] : memref<85x64xf32, #tpu.memory_space<vmem_shared>> -> memref<85x64xf32, #tpu.memory_space<vmem_shared>>
      tpu.enqueue_indirect_dma source(%dma_start3A_255 : memref<85x64xf32, #tpu.memory_space<vmem_shared>>) target(%dma_start3A_251 : memref<128x64xf32, #tpu.memory_space<vmem>>) offsets(%dma_start3A_252 : memref<128xi32, #tpu.memory_space<vmem>>) semaphore(%arg11 : memref<!tpu.dma_semaphore, #tpu.memory_space<semaphore_mem>>)
      %add3A_256 = arith.constant 256 : i32
      %add3A_257 = arith.addi %mul3A_237, %add3A_256 : i32
      %dma_start3A_258 = arith.constant 256 : i32
      %dma_start3A_259 = arith.constant 0 : i32
      %dma_start3A_260 = tpu.memref_slice %arg8[%dma_start3A_258, %dma_start3A_259] : memref<288x64xf32, #tpu.memory_space<vmem>> -> memref<32x64xf32, #tpu.memory_space<vmem>>
      %dma_start3A_261 = tpu.memref_slice %arg6[%add3A_257] : memref<4608xi32, #tpu.memory_space<vmem>> -> memref<32xi32, #tpu.memory_space<vmem>>
      %dma_start3A_262 = arith.constant 0 : i32
      %dma_start3A_263 = arith.constant 0 : i32
      %dma_start3A_264 = tpu.memref_slice %arg9[%dma_start3A_262, %dma_start3A_263] : memref<85x64xf32, #tpu.memory_space<vmem_shared>> -> memref<85x64xf32, #tpu.memory_space<vmem_shared>>
      tpu.enqueue_indirect_dma source(%dma_start3A_264 : memref<85x64xf32, #tpu.memory_space<vmem_shared>>) target(%dma_start3A_260 : memref<32x64xf32, #tpu.memory_space<vmem>>) offsets(%dma_start3A_261 : memref<32xi32, #tpu.memory_space<vmem>>) semaphore(%arg11 : memref<!tpu.dma_semaphore, #tpu.memory_space<semaphore_mem>>)
      %dma_wait3A_265 = arith.constant 0 : i32
      %dma_wait3A_266 = arith.constant 0 : i32
      %dma_wait3A_267 = tpu.memref_slice %arg8[%dma_wait3A_265, %dma_wait3A_266] : memref<288x64xf32, #tpu.memory_space<vmem>> -> memref<128x64xf32, #tpu.memory_space<vmem>>
      %dma_wait3A_268 = tpu.memref_slice %arg6[%add3A_239] : memref<4608xi32, #tpu.memory_space<vmem>> -> memref<128xi32, #tpu.memory_space<vmem>>
      %dma_wait3A_269 = arith.constant 0 : i32
      %dma_wait3A_270 = arith.constant 0 : i32
      %dma_wait3A_271 = tpu.memref_slice %arg9[%dma_wait3A_269, %dma_wait3A_270] : memref<85x64xf32, #tpu.memory_space<vmem_shared>> -> memref<85x64xf32, #tpu.memory_space<vmem_shared>>
      tpu.wait_indirect_dma semaphore(%arg11 : memref<!tpu.dma_semaphore, #tpu.memory_space<semaphore_mem>>) src(%dma_wait3A_271 : memref<85x64xf32, #tpu.memory_space<vmem_shared>>) dst(%dma_wait3A_267 : memref<128x64xf32, #tpu.memory_space<vmem>>)
      %dma_wait3A_272 = arith.constant 128 : i32
      %dma_wait3A_273 = arith.constant 0 : i32
      %dma_wait3A_274 = tpu.memref_slice %arg8[%dma_wait3A_272, %dma_wait3A_273] : memref<288x64xf32, #tpu.memory_space<vmem>> -> memref<128x64xf32, #tpu.memory_space<vmem>>
      %dma_wait3A_275 = tpu.memref_slice %arg6[%add3A_248] : memref<4608xi32, #tpu.memory_space<vmem>> -> memref<128xi32, #tpu.memory_space<vmem>>
      %dma_wait3A_276 = arith.constant 0 : i32
      %dma_wait3A_277 = arith.constant 0 : i32
      %dma_wait3A_278 = tpu.memref_slice %arg9[%dma_wait3A_276, %dma_wait3A_277] : memref<85x64xf32, #tpu.memory_space<vmem_shared>> -> memref<85x64xf32, #tpu.memory_space<vmem_shared>>
      tpu.wait_indirect_dma semaphore(%arg11 : memref<!tpu.dma_semaphore, #tpu.memory_space<semaphore_mem>>) src(%dma_wait3A_278 : memref<85x64xf32, #tpu.memory_space<vmem_shared>>) dst(%dma_wait3A_274 : memref<128x64xf32, #tpu.memory_space<vmem>>)
      %dma_wait3A_279 = arith.constant 256 : i32
      %dma_wait3A_280 = arith.constant 0 : i32
      %dma_wait3A_281 = tpu.memref_slice %arg8[%dma_wait3A_279, %dma_wait3A_280] : memref<288x64xf32, #tpu.memory_space<vmem>> -> memref<32x64xf32, #tpu.memory_space<vmem>>
      %dma_wait3A_282 = tpu.memref_slice %arg6[%add3A_257] : memref<4608xi32, #tpu.memory_space<vmem>> -> memref<32xi32, #tpu.memory_space<vmem>>
      %dma_wait3A_283 = arith.constant 0 : i32
      %dma_wait3A_284 = arith.constant 0 : i32
      %dma_wait3A_285 = tpu.memref_slice %arg9[%dma_wait3A_283, %dma_wait3A_284] : memref<85x64xf32, #tpu.memory_space<vmem_shared>> -> memref<85x64xf32, #tpu.memory_space<vmem_shared>>
      tpu.wait_indirect_dma semaphore(%arg11 : memref<!tpu.dma_semaphore, #tpu.memory_space<semaphore_mem>>) src(%dma_wait3A_285 : memref<85x64xf32, #tpu.memory_space<vmem_shared>>) dst(%dma_wait3A_281 : memref<32x64xf32, #tpu.memory_space<vmem>>)
      %mul3A_286 = arith.constant 32 : i32
      %mul3A_287 = arith.muli %add3A_226, %mul3A_286 : i32
      %add3A_288 = arith.addi %mul3A_2, %mul3A_287 : i32
      %mul3A_289 = arith.constant 9 : i32
      %mul3A_290 = arith.muli %add3A_288, %mul3A_289 : i32
      %dma_start3A_291 = arith.constant 0 : i32
      %dma_start3A_292 = tpu.memref_slice %arg4[%mul3A_290, %dma_start3A_291] : memref<147456x64xf32, #tpu.memory_space<hbm>> -> memref<288x64xf32, #tpu.memory_space<hbm>>
      %dma_start3A_293 = arith.constant 0 : i32
      %dma_start3A_294 = tpu.memref_slice %arg4[%mul3A_290, %dma_start3A_293] : memref<147456x64xf32, #tpu.memory_space<hbm>> -> memref<288x64xf32, #tpu.memory_space<hbm>>
      tpu.enqueue_dma source(%arg8 : memref<288x64xf32, #tpu.memory_space<vmem>>) target(%dma_start3A_294 : memref<288x64xf32, #tpu.memory_space<hbm>>) target_semaphore(%arg13 : memref<!tpu.dma_semaphore, #tpu.memory_space<semaphore_mem>>)
      %scan3A_295 = arith.constant 0 : i32
      scf.yield %scan3A_295 : i32
    }
    %scan3A_132 = arith.constant 7 : i32
    %add3A_133 = arith.constant 0 : i32
    %add3A_134 = arith.addi %mul3A_2, %add3A_133 : i32
    %mul3A_135 = arith.constant 9 : i32
    %mul3A_136 = arith.muli %add3A_134, %mul3A_135 : i32
    %dma_wait3A_137 = arith.constant 0 : i32
    %dma_wait3A_138 = tpu.memref_slice %arg4[%mul3A_136, %dma_wait3A_137] : memref<147456x64xf32, #tpu.memory_space<hbm>> -> memref<288x64xf32, #tpu.memory_space<hbm>>
    %dma_wait3A_139 = arith.constant 0 : i32
    %dma_wait3A_140 = tpu.memref_slice %arg4[%mul3A_136, %dma_wait3A_139] : memref<147456x64xf32, #tpu.memory_space<hbm>> -> memref<288x64xf32, #tpu.memory_space<hbm>>
    tpu.wait_dma2 semaphore(%arg12 : memref<!tpu.dma_semaphore, #tpu.memory_space<semaphore_mem>>) src(%arg7 : memref<288x64xf32, #tpu.memory_space<vmem>>) dst(%dma_wait3A_140 : memref<288x64xf32, #tpu.memory_space<hbm>>)
    %add3A_141 = arith.constant 32 : i32
    %add3A_142 = arith.addi %mul3A_2, %add3A_141 : i32
    %mul3A_143 = arith.constant 9 : i32
    %mul3A_144 = arith.muli %add3A_142, %mul3A_143 : i32
    %dma_wait3A_145 = arith.constant 0 : i32
    %dma_wait3A_146 = tpu.memref_slice %arg4[%mul3A_144, %dma_wait3A_145] : memref<147456x64xf32, #tpu.memory_space<hbm>> -> memref<288x64xf32, #tpu.memory_space<hbm>>
    %dma_wait3A_147 = arith.constant 0 : i32
    %dma_wait3A_148 = tpu.memref_slice %arg4[%mul3A_144, %dma_wait3A_147] : memref<147456x64xf32, #tpu.memory_space<hbm>> -> memref<288x64xf32, #tpu.memory_space<hbm>>
    tpu.wait_dma2 semaphore(%arg13 : memref<!tpu.dma_semaphore, #tpu.memory_space<semaphore_mem>>) src(%arg8 : memref<288x64xf32, #tpu.memory_space<vmem>>) dst(%dma_wait3A_148 : memref<288x64xf32, #tpu.memory_space<hbm>>)
    return
  }
}

</mosaic_0001>

<sc_bundles>
// kernel: kernel.3.cloned.1.call-start
scs
__scs_entry_jumppad:
0x0: {  	(pc) =	sbr.rel $0x88, $3  }
0x1: {  	(tag) =	ssettag $0x0;
	lr =	simm.s32 $0x1  }
0x2: {  	[smem:$0x3F97] =	sst lr;
	_ =	strace $0xD0000000  }
0x3: {  	_ = 	snop  }
0x4: {  	_ = 	snop  }
0x5: {  	_ = 	snop  }
0x6: {  	_ = 	snop  }
0x7: {  	_ = 	snop  }
__scs_overlays_trampoline_lowered:
0x8: {  	[smem:$0x3FA6] =	sst s0  }
0x9: {  	[smem:$0x3FA7] =	sst s1  }
0xa: {  	[smem:$0x3FA8] =	sst s2  }
0xb: {  	[smem:$0x3FA9] =	sst s3  }
0xc: {  	[smem:$0x3FAA] =	sst s4  }
0xd: {  	[smem:$0x3FAB] =	sst s5  }
0xe: {  	[smem:$0x3FAC] =	sst s6  }
0xf: {  	[smem:$0x3FAD] =	sst s7  }
0x10: {  	[smem:$0x3FAE] =	sst s8  }
0x11: {  	[smem:$0x3FAF] =	sst s9;
	s0 =	simm.s32 @!p0 $0x0  }
0x12: {  	s1 =	sld [smem:$0x3F95];
	s0 =	simm.s32 @p0 $0x1  }
0x13: {  	[smem:$0x3FB0] =	sst s0;
	s0 =	simm.s32 @!p1 $0x0  }
0x14: {  	s2 =	sld [smem:$0x3F94];
	s0 =	simm.s32 @p1 $0x1  }
0x15: {  	[smem:$0x3FB1] =	sst s0;
	s0 =	simm.s32 @!p2 $0x0  }
0x16: {  	s3 =	sld [smem:$0x3FDB];
	s0 =	simm.s32 @p2 $0x1  }
0x17: {  	s4 =	simm.s32 $0x1BF5;
	[smem:$0x3FB3] =	sst s0  }
0x18: {  	s0 =	sld [smem:$0x3F96];
	_ =	swait.ge [sflag:s4], $0x0  }
0x19: {  	s7 =	sld [smem:$0x3F97]  }
0x1a: {  	s8 =	sadd.s32 $0xFFFFE003, lr  }
0x1b: {  	s9 =	sadd.s32 $0xFFFFFEF7, lr;
	s5 =	simm.s32 $0xFFFFFFFF;
	p2 =	slt.u32 s8, $0xFFFFF086  }
0x1c: {  	p1 =	slt.u32 s9, $0xF7A;
	s5 =	simm.s32 @!p2 $0x0  }
0x1d: {  	s5 =	simm.s32 @p1 $0x1;
	p0 =	seq.s32 s7, s2  }
0x1e: {  	s7 =	smul.u32 @!p0 $0xF7A, s2;
	p2 =	seq.s32 @!p0 s5, $0x0  }
0x1f: {  	s9 =	smul.u32 $0xF7A, s1;
	s8 =	simm.s32 @!p0 $0x1BF5;
	p2 =	por !p2, p0  }
0x20: {  	[sflag:s8] =	ssyncset.s32 @!p0 $0xFFFFF086;
	s6 =	sadd.s32 @!p0 s3, s7;
	s7 =	simm.s32 @!p0 $0x108  }
0x21: {  	s3 =	sadd.s32 s3, s9;
	s6 =	sadd.s32 @!p0 $0x88, s6;
	s7 =	simm.s32 @p2 $0x1082  }
0x22: {  	[simem:s7], [sflag:s8] =	dma.local @!p0 [hbm:s6], $0xF7A  }
0x23: {  	s9 =	sor.u32 $0xD0000000, s2;
	s6 =	simm.s32 $0x108;
	_ =	swait.ge @!p0 [sflag:s8], $0x0  }
0x24: {  	s3 =	sadd.s32 $0x88, s3;
	s6 =	simm.s32 @!p1 $0x1082;
	[sflag:s4] =	ssyncset.s32 $0xFFFFF086  }
0x25: {  	[simem:s6], [sflag:s4] =	dma.local [hbm:s3], $0xF7A  }
0x26: {  	[smem:$0x3F97] =	sst s1;
	(tag) =	ssettag s2;
	_ =	strace s9  }
0x27: {  	s1 =	sld [smem:$0x3FA7]  }
0x28: {  	s2 =	sld [smem:$0x3FA8]  }
0x29: {  	s4 =	sld [smem:$0x3FAA]  }
0x2a: {  	p0 =	seq.s32 s5, $0x0;
	s5 =	sld [smem:$0x3FAB]  }
0x2b: {  	s6 =	sld [smem:$0x3FAC]  }
0x2c: {  	s7 =	sld [smem:$0x3FAD]  }
0x2d: {  	s3 =	simm.s32 $0x108;
	s8 =	sld [smem:$0x3FAE]  }
0x2e: {  	s3 =	simm.s32 @!p0 $0x1082;
	s9 =	sld [smem:$0x3FAF]  }
0x2f: {  	lr =	sadd.s32 s0, s3;
	s0 =	sld [smem:$0x3FA6]  }
0x30: {  	s3 =	sld [smem:$0x3FA9]  }
0x31: {  	[smem:$0x3FB2] =	sst s10  }
0x32: {  	s10 =	sld [smem:$0x3FB0];
	_ =	sdelay $0x3  }
0x33: {  	p0 =	seq.s32 s10, $0x1;
	s10 =	sld [smem:$0x3FB2];
	_ =	sdelay $0x3  }
0x34: {  	[smem:$0x3FB2] =	sst s10  }
0x35: {  	s10 =	sld [smem:$0x3FB1];
	_ =	sdelay $0x3  }
0x36: {  	p1 =	seq.s32 s10, $0x1;
	s10 =	sld [smem:$0x3FB2];
	_ =	sdelay $0x3  }
0x37: {  	[smem:$0x3FB2] =	sst s10  }
0x38: {  	s10 =	sld [smem:$0x3FB3]  }
0x39: {  	_ = 	snop;
	(pc) =	sbr.ind lr, $3  }
0x3a: {  	_ = 	snop  }
0x3b: {  	_ = 	snop  }
0x3c: {  	p2 =	seq.s32 s10, $0x1;
	s10 =	sld [smem:$0x3FB2]  }
0x3d: {  	_ =	shalt  }
0x3e: {  	_ =	shalt  }
0x3f: {  	_ =	shalt  }
0x40: {  	_ =	shalt  }
0x41: {  	_ =	shalt  }
0x42: {  	_ =	shalt  }
0x43: {  	_ =	shalt  }
0x44: {  	_ =	shalt  }
0x45: {  	_ =	shalt  }
0x46: {  	_ =	shalt  }
0x47: {  	_ =	shalt  }
0x48: {  	_ =	shalt  }
0x49: {  	_ =	shalt  }
0x4a: {  	_ =	shalt  }
0x4b: {  	_ =	shalt  }
0x4c: {  	_ =	shalt  }
0x4d: {  	_ =	shalt  }
0x4e: {  	_ =	shalt  }
0x4f: {  	_ =	shalt  }
0x50: {  	_ =	shalt  }
0x51: {  	_ =	shalt  }
0x52: {  	_ =	shalt  }
0x53: {  	_ =	shalt  }
0x54: {  	_ =	shalt  }
0x55: {  	_ =	shalt  }
0x56: {  	_ =	shalt  }
0x57: {  	_ =	shalt  }
0x58: {  	_ =	shalt  }
0x59: {  	_ =	shalt  }
0x5a: {  	_ =	shalt  }
0x5b: {  	_ =	shalt  }
0x5c: {  	_ =	shalt  }
0x5d: {  	_ =	shalt  }
0x5e: {  	_ =	shalt  }
0x5f: {  	_ =	shalt  }
0x60: {  	_ =	shalt  }
0x61: {  	_ =	shalt  }
0x62: {  	_ =	shalt  }
0x63: {  	_ =	shalt  }
0x64: {  	_ =	shalt  }
0x65: {  	_ =	shalt  }
0x66: {  	_ =	shalt  }
0x67: {  	_ =	shalt  }
0x68: {  	_ =	shalt  }
0x69: {  	_ =	shalt  }
0x6a: {  	_ =	shalt  }
0x6b: {  	_ =	shalt  }
0x6c: {  	_ =	shalt  }
0x6d: {  	_ =	shalt  }
0x6e: {  	_ =	shalt  }
0x6f: {  	_ =	shalt  }
0x70: {  	_ =	shalt  }
0x71: {  	_ =	shalt  }
0x72: {  	_ =	shalt  }
0x73: {  	_ =	shalt  }
0x74: {  	_ =	shalt  }
0x75: {  	_ =	shalt  }
0x76: {  	_ =	shalt  }
0x77: {  	_ =	shalt  }
0x78: {  	_ =	shalt  }
0x79: {  	_ =	shalt  }
0x7a: {  	_ =	shalt  }
0x7b: {  	_ =	shalt  }
0x7c: {  	_ =	shalt  }
0x7d: {  	_ =	shalt  }
0x7e: {  	_ =	shalt  }
0x7f: {  	_ =	shalt  }
0x80: {  	_ =	shalt  }
0x81: {  	_ =	shalt  }
0x82: {  	_ =	shalt  }
0x83: {  	_ =	shalt  }
0x84: {  	_ =	shalt  }
0x85: {  	_ =	shalt  }
0x86: {  	_ =	shalt  }
0x87: {  	_ =	shalt  }
.Lfunc_end0:
.L_simem_size_0:
called_computation.1_lowered:
.L_overlay_start_0:
0x88: {  	s2 =	sld [smem:$0x3FD9]  }
0x89: {  	s3 =	sld [smem:$0x3FFE];
	_ =	sdelay $0x1  }
0x8a: {  	s1 =	srdreg.scid  }
0x8b: {  	s0 =	sand.u32 $0x1, s1  }
0x8c: {  	s17 =	sshll.u32 s0, $0xA;
	s2 =	sadd.s32 s3, s2  }
0x8d: {  	s2 =	sadd.s32 s2, s17  }
0x8e: {  	[smem:$0x3FBE] =	sst s2  }
0x8f: {  	_ = 	snop  }
0x90: {  	s2 =	sld [smem:$0x3FD0];
	(tm) =	ssettm $0x1  }
0x91: {  	s18 =	sld [smem:$0x3FFB];
	_ =	sdelay $0x3  }
0x92: {  	_ =	strace s18  }
0x93: {  	s3 =	sld [smem:$0x3FFC];
	_ =	sdelay $0x3  }
0x94: {  	_ =	strace s3  }
0x95: {  	s3 =	sld [smem:$0x3FFD];
	_ =	sdelay $0x3  }
0x96: {  	_ =	strace s3  }
0x97: {  	_ =	strace $0x8FFFFFFF  }
0x98: {  	s19 =	sld [smem:$0x3FDB];
	_ =	sdelay $0x1  }
0x99: {  	s4 =	simm.s32 $_scs_section_size  }
0x9a: {  	s5 =	simm.s32 $_size__tile_overlayer_lowered;
	s6 =	simm.s32 $_tile_overlayer_lowered  }
0x9b: {  	s22 =	simm.s32 $0x1BFF;
	s21 =	sshll.u32 s6, $0x1;
	s3 =	sadd.s32 s4, s19  }
0x9c: {  	s7 =	simm.s32 $0x0;
	s20 =	sshll.u32 s5, $0x1;
	s5 =	sadd.s32 s21, s3  }
0x9d: {  	[timem:s7], [sflag:s22] =	dma.local [hbm:s5], s20  }
0x9e: {  	_ =	swait.ge [sflag:s22], s20  }
0x9f: {  	s4 =	ssub.s32 $0x0, s20;
	[sflag:s22] =	ssyncset.done $0x0  }
0xa0: {  	[sflag:s22] =	ssyncadd.s32 s4;
	_ =	sdelay $0x1  }
0xa1: {  	s23 =	simm.s32 $0x1B8B  }
0xa2: {  	_ =	swait.ge [sflag:s23], $0x1  }
0xa3: {  	[sflag:s23] =	ssyncset.done $0x0  }
0xa4: {  	s25 =	simm.s32 $0x1B8E;
	s24 =	sld [smem:$0x3FFE];
	[sflag:s23] =	ssyncadd.s32 $0xFFFFFFFF  }
0xa5: {  	s26 =	simm.s32 $execute0_lowered;
	[smem:$0x3FD2] =	sst s25  }
0xa6: {  	s5 =	sshll.u32 s26, $0x1;
	_ =	strace $0x80000046;
	[dreg:$0x1] =	wrdreg $0xFFFFFFFF  }
0xa7: {  	s28 =	simm.s32 $_size_execute0_lowered;
	s3 =	sadd.s32 s3, s5;
	[dreg:$0x0] =	wrdreg $0x0  }
0xa8: {  	s5 =	sshll.u32 s28, $0x1;
	[dreg:$0x2] =	wrdreg s3  }
0xa9: {  	[dreg:$0x3] =	wrdreg s5  }
0xaa: {  	[dreg:$0x4] =	wrdreg $0xC0  }
0xab: {  	_ =	task [dreg:s7], $0x5FFFF  }
0xac: {  	[dreg:$0x1] =	wrdreg $0xFFFFFFFF  }
0xad: {  	[dreg:$0x0] =	wrdreg $0x60  }
0xae: {  	[dreg:$0x2] =	wrdreg s24  }
0xaf: {  	[dreg:$0x3] =	wrdreg s2  }
0xb0: {  	[dreg:$0x4] =	wrdreg $0x14C000  }
0xb1: {  	[dreg:$0x5] =	wrdreg $0x9  }
0xb2: {  	_ =	task.clear_ibuf [dreg:s7], $0x6FFFF;
	_ =	strace $0x90000046  }
0xb3: {  	s29 =	simm.s32 $0x9;
	_ =	strace $0x80000048  }
0xb4: {  	_ =	swait.ge [sflag:s29], $0x1  }
0xb5: {  	[sflag:s29] =	ssyncadd.s32 $0xFFFFFFFF  }
0xb6: {  	_ =	strace $0x90000048  }
0xb7: {  	_ =	sfence  }
0xb8: {  	s30 =	sld [smem:$0x0];
	_ =	sdelay $0x2  }
0xb9: {  	s31 =	sshll.u32 s1, $0xD;
	s1 =	sshrl.u32 s1, $0x2  }
0xba: {  	s3 =	sand.u32 $0x4000, s31;
	s1 =	sadd.s32 s1, s30  }
0xbb: {  	s0 =	sor.u32 s3, s0;
	s1 =	sshll.u32 s1, $0x11  }
0xbc: {  	s0 =	sor.u32 s1, s0  }
0xbd: {  	s0 =	sadd.s32 $0x8F2B, s0  }
0xbe: {  	[sflag:s0] =	ssyncadd.remote.s32 $0x1  }
0xbf: {  	_ =	sfence.sel $0xFFFF  }
0xc0: {  	[dreg:$0x0] =	wrdreg $0xFFFFFFFF;
	(pc) =	sbr.abs _section_cstart, $3  }
0xc1: {  	[dreg:$0x1] =	wrdreg $0xFFFFFFFF  }
0xc2: {  	_ =	task.clear_ibuf [dreg:s7], $0x2FFFF;
	_ =	strace $0x9FFFFFFF  }
0xc3: {  	(tm) =	ssettm $0x7FFFFFFF  }
tec
execute0_lowered:
.L_overlay_start_1:
0x0: {  	(tag) =	ssettag $0x1  }
0x1: {  	v4 =	vlaneseq.u32  }
0x2: {  	v0 =	vmul.u32 $0x55, v4;
	_ =	sdelay $0x1  }
0x3: {  	v15 =	vmul.u32 $0x9, v4;
	v16 =	vand.u32 $0x7, v4;
	v4 =	vadd.s32 $0x9, v0  }
0x4: {  	[tilespmem:$0x1FDC0] =	vst v4;
	v4 =	vadd.s32 $0xA, v0  }
0x5: {  	s1 =	rddreg [dreg:$0x0];
	s2 =	srdreg.scid;
	[tilespmem:$0x1FDD0] =	vst v4;
	v4 =	vadd.s32 $0xB, v0  }
0x6: {  	s5 =	rddreg [dreg:$0x1];
	s4 =	sand.u32 $0x1, s2;
	s2 =	simm.s32 $0x0;
	[tilespmem:$0x1FDE0] =	vst v4;
	v4 =	vadd.s32 $0xC, v0  }
0x7: {  	[smem:$0x7FF] =	sst s2;
	[tilespmem:$0x1FDF0] =	vst v4;
	v4 =	vadd.s32 $0xD, v0  }
0x8: {  	s0 =	rddreg [dreg:$0x2];
	_ =	strace $0x80000047;
	[tilespmem:$0x1FE00] =	vst v4;
	v4 =	vadd.s32 $0xE, v0  }
0x9: {  	[tilespmem:$0x1FE10] =	vst v4;
	v4 =	vadd.s32 $0xF, v0  }
0xa: {  	[tilespmem:$0x1FE20] =	vst v4;
	v4 =	vadd.s32 $0x10, v0  }
0xb: {  	[tilespmem:$0x1FE30] =	vst v4;
	v4 =	vadd.s32 $0x11, v0  }
0xc: {  	[tilespmem:$0x1FE40] =	vst v4;
	v4 =	vadd.s32 $0x12, v0  }
0xd: {  	[tilespmem:$0x1FE50] =	vst v4;
	v4 =	vadd.s32 $0x13, v0  }
0xe: {  	[tilespmem:$0x1FE60] =	vst v4;
	v4 =	vadd.s32 $0x14, v0  }
0xf: {  	[tilespmem:$0x1FE70] =	vst v4;
	v4 =	vadd.s32 $0x15, v0  }
0x10: {  	[tilespmem:$0x1FE80] =	vst v4;
	v4 =	vadd.s32 $0x16, v0  }
0x11: {  	[tilespmem:$0x1FE90] =	vst v4;
	v4 =	vadd.s32 $0x17, v0  }
0x12: {  	[tilespmem:$0x1FEA0] =	vst v4;
	v4 =	vadd.s32 $0x18, v0  }
0x13: {  	[tilespmem:$0x1FEB0] =	vst v4;
	v4 =	vadd.s32 $0x19, v0  }
0x14: {  	[tilespmem:$0x1FEC0] =	vst v4;
	v4 =	vadd.s32 $0x1A, v0  }
0x15: {  	[tilespmem:$0x1FED0] =	vst v4;
	v4 =	vadd.s32 $0x1B, v0  }
0x16: {  	[tilespmem:$0x1FEE0] =	vst v4;
	v4 =	vadd.s32 $0x1C, v0  }
0x17: {  	v1 =	vimm.s32 $0x36147250;
	[tilespmem:$0x1FEF0] =	vst v4;
	v4 =	vadd.s32 $0x1D, v0  }
0x18: {  	v2 =	vimm.s32 $0x47250361;
	v5 =	vimm.s32 $0x50361472;
	[tilespmem:$0x1FF00] =	vst v4;
	v4 =	vadd.s32 $0x1E, v0  }
0x19: {  	v7 =	vimm.s32 $0x61472503;
	v9 =	vimm.s32 $0x72503614;
	[tilespmem:$0x1FF10] =	vst v4;
	v4 =	vadd.s32 $0x1F, v0  }
0x1a: {  	v11 =	vimm.s32 $0x3614725;
	v13 =	vimm.s32 $0x25036147;
	[tilespmem:$0x1FF20] =	vst v4;
	v4 =	vadd.s32 $0x20, v0  }
0x1b: {  	s9 =	stileid.u32;
	v21 =	vimm.s32 $0x7;
	s12 =	simm.s32 $0x80;
	s13 =	simm.s32 $0xBC00;
	v1 =	vunpack.c.l.s4.s8 v1;
	[tilespmem:$0x1FF30] =	vst v4;
	v4 =	vadd.s32 $0x21, v0  }
0x1c: {  	s15 =	simm.s32 $0xDC00;
	s16 =	simm.s32 $0x20;
	s18 =	simm.s32 $0xFC00;
	v3 =	vunpack.c.l.s4.s8 v2;
	v6 =	vunpack.c.l.s4.s8 v5;
	[tilespmem:$0x1FF40] =	vst v4;
	v4 =	vadd.s32 $0x22, v0  }
0x1d: {  	s19 =	simm.s32 $0x1;
	s20 =	simm.s32 $0xAB20;
	s21 =	simm.s32 $0x10400;
	v5 =	vimm.s32 $0x0;
	v8 =	vunpack.c.l.s4.s8 v7;
	[tilespmem:$0x1FF50] =	vst v4;
	v4 =	vadd.s32 $0x23, v0  }
0x1e: {  	s22 =	simm.s32 $0xABA0;
	s23 =	simm.s32 $0x12400;
	s24 =	simm.s32 $0xAC20;
	v10 =	vunpack.c.l.s4.s8 v9;
	v12 =	vunpack.c.l.s4.s8 v11;
	[tilespmem:$0x1FF60] =	vst v4;
	v4 =	vadd.s32 $0x24, v0  }
0x1f: {  	s28 =	simm.s32 $0x3;
	v11 =	vimm.s32 $0x14725036;
	v18 =	vunpack.c.l.s4.s8 v13;
	s3 =	sshll.u32 s9, $0x1;
	s10 =	smul.u32 $0x12000, s9;
	[tilespmem:$0x1FF70] =	vst v4;
	v4 =	vadd.s32 $0x25, v0  }
0x20: {  	s29 =	simm.s32 $0x4;
	v14 =	vunpack.c.l.s4.s8 v11;
	s3 =	sor.u32 s4, s3;
	s11 =	smul.u32 $0x9000, s4;
	v1 =	vunpack.c.0.s8.s32 v1;
	[tilespmem:$0x1FF80] =	vst v4;
	v4 =	vadd.s32 $0x26, v0  }
0x21: {  	s30 =	simm.s32 $0x0;
	p0 =	sne.s32 s9, $0x0;
	v2 =	vadd.s32 $0x1, v0;
	v3 =	vunpack.c.0.s8.s32 v3;
	s6 =	smul.u32 $0x1540, s3;
	[tilespmem:$0x1FF90] =	vst v4;
	v4 =	vadd.s32 $0x27, v0  }
0x22: {  	s8 =	ssub.s32 $0x2, s4;
	s9 =	sshrl.u32 @!p0 s0, $0x3;
	v34 =	vadd.s32 $0x2, v0;
	v6 =	vunpack.c.0.s8.s32 v6;
	s7 =	smul.u32 $0x9000, s3;
	[tilespmem:$0x1FFA0] =	vst v4;
	v4 =	vadd.s32 $0x28, v0  }
0x23: {  	v37 =	vadd.s32 $0x3, v0;
	v8 =	vunpack.c.0.s8.s32 v8;
	s3 =	sadd.s32 $0x800, s1;
	s25 =	sshrl.u32 s8, $0x1;
	s26 =	sadd.s32 s10, s5;
	[tilespmem:$0x1FFB0] =	vst v4;
	v4 =	vadd.s32 $0x29, v0  }
0x24: {  	v49 =	vadd.s32 $0x4, v0;
	v10 =	vunpack.c.0.s8.s32 v10;
	s10 =	simm.s32 $0x5;
	s31 =	sadd.s32 s11, s26;
	s11 =	simm.s32 $0xAA00;
	[tilespmem:$0x1FFC0] =	vst v4;
	v4 =	vadd.s32 $0x2A, v0  }
0x25: {  	v55 =	vadd.s32 $0x5, v0;
	v12 =	vunpack.c.0.s8.s32 v12;
	s26 =	simm.s32 $0x2;
	s6 =	sadd.s32 s6, s1;
	s1 =	ssub.s32 s8, s25;
	[tilespmem:$0x1FFD0] =	vst v4;
	v4 =	vadd.s32 $0x2B, v0  }
0x26: {  	v17 =	vadd.s32 $0x6, v0;
	v63 =	vadd.s32 $0x7, v0;
	s4 =	sadd.s32 s5, s7;
	s8 =	sadd.s32 $0x1200, s31;
	s25 =	simm.s32 $0x14400;
	[tilespmem:$0x1FFE0] =	vst v4;
	v4 =	vadd.s32 $0x2C, v0  }
0x27: {  	v18 =	vunpack.c.0.s8.s32 v18;
	v19 =	vadd.s32 $0x8, v0;
	v14 =	vunpack.c.0.s8.s32 v14;
	s5 =	sadd.s32 $0xC00, s6;
	s6 =	sadd.s32 $0x900, s4;
	s7 =	smax.u32 s1, $0x1;
	[tilespmem:$0x1FFF0] =	vst v4  }
.LBB2_1:
0x28: {  	s1 =	simm.s32 @!p0 $0x1C05  }
0x29: {  	[spmem:s9], [sflag:s1] =	dma.local @!p0 [hbm:s3], $0x2A8  }
0x2a: {  	s1 =	simm.s32 @!p0 $0x5  }
0x2b: {  	_ =	swait.ge @!p0 [sflag:s1], $0x2A8  }
0x2c: {  	[sflag:s1] =	ssyncset.done @!p0 $0x0  }
0x2d: {  	[sflag:s1] =	ssyncadd.s32 @!p0 $0xFFFFFD58  }
0x2e: {  	[tilespmem:s2], [sflag:$0x5] =	stream.linear.gather [hbm4b:s5+s2], $0xAA00, $0x38;
	[tilespmem:$0x14D58] =	vst v63  }
0x2f: {  	_ =	swait.ge [sflag:s10], $0xAA00  }
0x30: {  	v23 =	vld [tilespmem:$0x1FDD0]  }
0x31: {  	v24 =	vld [tilespmem:$0x1FDE0]  }
0x32: {  	v25 =	vld [tilespmem:$0x1FDF0]  }
0x33: {  	v26 =	vld [tilespmem:$0x1FE00]  }
0x34: {  	v27 =	vld [tilespmem:$0x1FE10]  }
0x35: {  	v28 =	vld [tilespmem:$0x1FE20]  }
0x36: {  	v30 =	vld [tilespmem:$0x1FE30]  }
0x37: {  	v31 =	vld [tilespmem:$0x1FE40]  }
0x38: {  	v32 =	vld [tilespmem:$0x1FE50]  }
0x39: {  	v33 =	vld [tilespmem:$0x1FE60]  }
0x3a: {  	v35 =	vld [tilespmem:$0x1FE70]  }
0x3b: {  	v36 =	vld [tilespmem:$0x1FE80]  }
0x3c: {  	v38 =	vld [tilespmem:$0x1FE90]  }
0x3d: {  	v39 =	vld [tilespmem:$0x1FEA0]  }
0x3e: {  	v40 =	vld [tilespmem:$0x1FEB0]  }
0x3f: {  	v41 =	vld [tilespmem:$0x1FEC0]  }
0x40: {  	v42 =	vld [tilespmem:$0x1FED0]  }
0x41: {  	v43 =	vld [tilespmem:$0x1FEE0]  }
0x42: {  	v44 =	vld [tilespmem:$0x1FEF0]  }
0x43: {  	v45 =	vld [tilespmem:$0x1FF00]  }
0x44: {  	v46 =	vld [tilespmem:$0x1FF10]  }
0x45: {  	v47 =	vld [tilespmem:$0x1FF20]  }
0x46: {  	v48 =	vld [tilespmem:$0x1FF30]  }
0x47: {  	v50 =	vld [tilespmem:$0x1FF40]  }
0x48: {  	v51 =	vld [tilespmem:$0x1FF50]  }
0x49: {  	v52 =	vld [tilespmem:$0x1FF60]  }
0x4a: {  	v53 =	vld [tilespmem:$0x1FF70]  }
0x4b: {  	v54 =	vld [tilespmem:$0x1FF80]  }
0x4c: {  	v56 =	vld [tilespmem:$0x1FF90]  }
0x4d: {  	v57 =	vld [tilespmem:$0x1FFA0]  }
0x4e: {  	v58 =	vld [tilespmem:$0x1FFB0]  }
0x4f: {  	v59 =	vld [tilespmem:$0x1FFC0]  }
0x50: {  	v61 =	vld [tilespmem:$0x1FFD0]  }
0x51: {  	[sflag:s10] =	ssyncset.done $0x0;
	v62 =	vld [tilespmem:$0x1FFE0]  }
0x52: {  	s31 =	simm.s32 $0x8;
	s1 =	simm.s32 $0x0;
	v22 =	vld [tilespmem:$0x1FFF0];
	[sflag:s10] =	ssyncadd.s32 $0xFFFF5600  }
.LBB2_2:
0x53: {  	v4 =	vmov s1  }
0x54: {  	v4 =	vmul.u32 $0x55, v4;
	_ =	sdelay $0x1  }
0x55: {  	v4 =	vbroadcast v4, $0x0;
	_ =	sdelay $0x1  }
0x56: {  	v20 =	vadd.s32 v0, v4  }
0x57: {  	v29 =	vadd.s32 v2, v4;
	v20 =	vand.u32 $0xFFFFFFF8, v20  }
0x58: {  	v29 =	vand.u32 $0xFFFFFFF8, v29;
	v20 =	vor.u32 v1, v20  }
0x59: {  	v60 =	vadd.s32 v34, v4;
	v29 =	vor.u32 v3, v29  }
0x5a: {  	v7 =	vmov v34;
	v34 =	vand.u32 $0xFFFFFFF8, v60  }
0x5b: {  	v60 =	vadd.s32 v37, v4;
	v34 =	vor.u32 v6, v34  }
0x5c: {  	v9 =	vmov v37;
	v37 =	vand.u32 $0xFFFFFFF8, v60  }
0x5d: {  	v60 =	vadd.s32 v49, v4;
	v37 =	vor.u32 v8, v37;
	v20 =	vld.idx.msk [tilespmem:v20+s2+$0x0], $0xffff  }
0x5e: {  	v11 =	vmov v49;
	v49 =	vand.u32 $0xFFFFFFF8, v60;
	v29 =	vld.idx.msk [tilespmem:v29+s2+$0x0], $0xffff  }
0x5f: {  	v49 =	vor.u32 v10, v49  }
0x60: {  	v34 =	vld.idx.msk [tilespmem:v34+s2+$0x0], $0xffff  }
0x61: {  	v60 =	vadd.s32 v55, v4  }
0x62: {  	v13 =	vmov v55;
	v55 =	vand.u32 $0xFFFFFFF8, v60;
	v37 =	vld.idx.msk [tilespmem:v37+s2+$0x0], $0xffff  }
0x63: {  	v60 =	vadd.s32 v17, v4;
	v55 =	vor.u32 v12, v55;
	vm0 =	vgt.f32 v29, v20  }
0x64: {  	v60 =	vand.u32 $0xFFFFFFF8, v60;
	v20 =	vsel vm0, v29, v20;
	v29 =	vld.idx.msk [tilespmem:v49+s2+$0x0], $0xffff  }
0x65: {  	v49 =	vor.u32 v14, v60;
	vm1 =	vgt.f32 v34, v20  }
0x66: {  	v20 =	vsel vm1, v34, v20  }
0x67: {  	vm2 =	vgt.f32 v37, v20  }
0x68: {  	v20 =	vsel vm2, v37, v20;
	v37 =	vld.idx.msk [tilespmem:v55+s2+$0x0], $0xffff  }
0x69: {  	s14 =	sadd.s32 $0xFFFFFFF8, s31;
	v60 =	vsel vm0, $0x1, v5;
	v5 =	vld [tilespmem:$0x1FDC0];
	vm7 =	vgt.f32 v29, v20  }
0x6a: {  	v34 =	vsel vm1, $0x2, v60;
	v55 =	vadd.s32 s14, v15;
	v20 =	vsel vm7, v29, v20;
	v29 =	vld.idx.msk [tilespmem:v49+s2+$0x0], $0xffff  }
0x6b: {  	v60 =	vadd.s32 v63, v4;
	v34 =	vsel vm2, $0x3, v34;
	v49 =	vand.u32 $0x3FF8, v55  }
0x6c: {  	v55 =	vand.u32 $0xFFFFFFF8, v60;
	v60 =	vadd.s32 v19, v4;
	v49 =	vor.u32 v16, v49  }
0x6d: {  	v55 =	vor.u32 v18, v55;
	v60 =	vand.u32 $0xFFFFFFF8, v60;
	vm8 =	vgt.f32 v37, v20  }
0x6e: {  	v34 =	vsel vm7, $0x4, v34;
	v20 =	vsel vm8, v37, v20;
	v37 =	vor.u32 v1, v60  }
0x6f: {  	v60 =	vadd.s32 v5, v4;
	v34 =	vsel vm8, $0x5, v34;
	vm9 =	vgt.f32 v29, v20  }
0x70: {  	v20 =	vand.u32 $0xFFFFFFF8, v60;
	v29 =	vsel vm9, $0x6, v34  }
0x71: {  	v60 =	vadd.s32 v23, v4;
	v20 =	vor.u32 v3, v20;
	[tilespmem:v49+s11+$0x0] =	vst.idx.msk $0xffff, v29  }
0x72: {  	v29 =	vand.u32 $0xFFFFFFF8, v60;
	v34 =	vld.idx.msk [tilespmem:v55+s2+$0x0], $0xffff;
	v55 =	vadd.s32 v24, v4  }
0x73: {  	v29 =	vor.u32 v6, v29;
	v37 =	vld.idx.msk [tilespmem:v37+s2+$0x0], $0xffff;
	v49 =	vand.u32 $0xFFFFFFF8, v55  }
0x74: {  	v49 =	vor.u32 v8, v49  }
0x75: {  	v60 =	vadd.s32 v25, v4  }
0x76: {  	v55 =	vand.u32 $0xFFFFFFF8, v60;
	v20 =	vld.idx.msk [tilespmem:v20+s2+$0x0], $0xffff  }
0x77: {  	v60 =	vadd.s32 v26, v4;
	v55 =	vor.u32 v10, v55  }
0x78: {  	v60 =	vand.u32 $0xFFFFFFF8, v60;
	v29 =	vld.idx.msk [tilespmem:v29+s2+$0x0], $0xffff;
	vm10 =	vgt.f32 v37, v34  }
0x79: {  	v34 =	vsel vm10, v37, v34;
	v37 =	vld.idx.msk [tilespmem:v49+s2+$0x0], $0xffff;
	v49 =	vor.u32 v12, v60;
	v60 =	vadd.s32 v27, v4  }
0x7a: {  	v60 =	vand.u32 $0xFFFFFFF8, v60  }
0x7b: {  	vm11 =	vgt.f32 v20, v34;
	v60 =	vor.u32 v14, v60  }
0x7c: {  	v20 =	vsel vm11, v20, v34;
	v34 =	vld.idx.msk [tilespmem:v55+s2+$0x0], $0xffff  }
0x7d: {  	vm12 =	vgt.f32 v29, v20  }
0x7e: {  	v20 =	vsel vm12, v29, v20;
	v29 =	vsel vm10, $0x8, v21;
	v49 =	vld.idx.msk [tilespmem:v49+s2+$0x0], $0xffff  }
0x7f: {  	s17 =	sadd.s32 $0xFFFFFFF9, s31;
	vm13 =	vgt.f32 v37, v20;
	v29 =	vsel vm11, $0x9, v29  }
0x80: {  	v55 =	vadd.s32 s17, v15;
	v20 =	vsel vm13, v37, v20;
	v29 =	vsel vm12, $0xA, v29;
	v37 =	vld.idx.msk [tilespmem:v60+s2+$0x0], $0xffff  }
0x81: {  	vm14 =	vgt.f32 v34, v20;
	v29 =	vsel vm13, $0xB, v29;
	v60 =	vadd.s32 v28, v4  }
0x82: {  	v20 =	vsel vm14, v34, v20;
	v34 =	vand.u32 $0xFFFFFFF8, v60;
	v60 =	vadd.s32 v30, v4  }
0x83: {  	v29 =	vsel vm14, $0xC, v29;
	v60 =	vand.u32 $0xFFFFFFF8, v60;
	vm15 =	vgt.f32 v49, v20  }
0x84: {  	v34 =	vor.u32 v18, v34;
	v60 =	vor.u32 v1, v60;
	v20 =	vsel vm15, v49, v20  }
0x85: {  	v29 =	vsel vm15, $0xD, v29;
	vm4 =	vgt.f32 v37, v20;
	v20 =	vadd.s32 v31, v4  }
0x86: {  	v29 =	vsel vm4, $0xE, v29;
	v20 =	vand.u32 $0xFFFFFFF8, v20  }
0x87: {  	[tilespmem:v55+s11+$0x0] =	vst.idx.msk $0xffff, v29;
	v20 =	vor.u32 v3, v20;
	v29 =	vadd.s32 v32, v4  }
0x88: {  	v29 =	vand.u32 $0xFFFFFFF8, v29  }
0x89: {  	v34 =	vld.idx.msk [tilespmem:v34+s2+$0x0], $0xffff;
	v29 =	vor.u32 v6, v29  }
0x8a: {  	v49 =	vld.idx.msk [tilespmem:v60+s2+$0x0], $0xffff;
	_ =	sdelay $0x1  }
0x8b: {  	v20 =	vld.idx.msk [tilespmem:v20+s2+$0x0], $0xffff;
	_ =	sdelay $0x1  }
0x8c: {  	v55 =	vadd.s32 v33, v4;
	v29 =	vld.idx.msk [tilespmem:v29+s2+$0x0], $0xffff  }
0x8d: {  	v5 =	vimm.s32 $0xF;
	s17 =	sadd.s32 $0xFFFFFFFA, s31;
	v37 =	vand.u32 $0xFFFFFFF8, v55;
	vm5 =	vgt.f32 v49, v34  }
0x8e: {  	v60 =	vadd.s32 v35, v4;
	v34 =	vsel vm5, v49, v34;
	v49 =	vadd.s32 s17, v15  }
0x8f: {  	v37 =	vor.u32 v8, v37;
	v55 =	vand.u32 $0xFFFFFFF8, v60;
	vm6 =	vgt.f32 v20, v34  }
0x90: {  	v60 =	vsel vm5, $0x10, v5;
	v20 =	vsel vm6, v20, v34;
	v34 =	vor.u32 v10, v55  }
0x91: {  	v60 =	vsel vm6, $0x11, v60;
	vm7 =	vgt.f32 v29, v20  }
0x92: {  	v20 =	vsel vm7, $0x12, v60  }
0x93: {  	[tilespmem:v49+s11+$0x0] =	vst.idx.msk $0xffff, v20  }
0x94: {  	v20 =	vld.idx.msk [tilespmem:v37+s2+$0x0], $0xffff  }
0x95: {  	v29 =	vld.idx.msk [tilespmem:v34+s2+$0x0], $0xffff  }
0x96: {  	s17 =	sadd.s32 $0xFFFFFFFB, s31;
	v49 =	vadd.s32 v36, v4  }
0x97: {  	v55 =	vadd.s32 v38, v4;
	v37 =	vadd.s32 s17, v15;
	v34 =	vand.u32 $0xFFFFFFF8, v49  }
0x98: {  	v49 =	vand.u32 $0xFFFFFFF8, v55;
	v34 =	vor.u32 v12, v34  }
0x99: {  	v60 =	vadd.s32 v39, v4;
	v49 =	vor.u32 v14, v49  }
0x9a: {  	v5 =	vimm.s32 $0x13;
	vm8 =	vgt.f32 v29, v20;
	v20 =	vand.u32 $0xFFFFFFF8, v60  }
0x9b: {  	v60 =	vadd.s32 v40, v4;
	v29 =	vsel vm8, $0x14, v5;
	v20 =	vor.u32 v18, v20  }
0x9c: {  	[tilespmem:v37+s11+$0x0] =	vst.idx.msk $0xffff, v29;
	v29 =	vand.u32 $0xFFFFFFF8, v60  }
0x9d: {  	v55 =	vadd.s32 v41, v4;
	v34 =	vld.idx.msk [tilespmem:v34+s2+$0x0], $0xffff;
	v29 =	vor.u32 v1, v29  }
0x9e: {  	v37 =	vand.u32 $0xFFFFFFF8, v55;
	v49 =	vld.idx.msk [tilespmem:v49+s2+$0x0], $0xffff  }
0x9f: {  	v60 =	vadd.s32 v42, v4;
	v37 =	vor.u32 v3, v37  }
0xa0: {  	v55 =	vand.u32 $0xFFFFFFF8, v60;
	v20 =	vld.idx.msk [tilespmem:v20+s2+$0x0], $0xffff  }
0xa1: {  	v60 =	vadd.s32 v43, v4;
	v55 =	vor.u32 v6, v55  }
0xa2: {  	v21 =	vmov v19;
	v60 =	vand.u32 $0xFFFFFFF8, v60;
	v29 =	vld.idx.msk [tilespmem:v29+s2+$0x0], $0xffff  }
0xa3: {  	v19 =	vmovc v63;
	v63 =	vadd.s32 v44, v4;
	v60 =	vor.u32 v8, v60;
	vm9 =	vgt.f32 v49, v34  }
0xa4: {  	v63 =	vand.u32 $0xFFFFFFF8, v63;
	v37 =	vld.idx.msk [tilespmem:v37+s2+$0x0], $0xffff;
	v34 =	vsel vm9, v49, v34  }
0xa5: {  	v49 =	vor.u32 v10, v63;
	v63 =	vadd.s32 v45, v4;
	vm10 =	vgt.f32 v20, v34  }
0xa6: {  	v63 =	vand.u32 $0xFFFFFFF8, v63;
	v20 =	vsel vm10, v20, v34;
	v34 =	vld.idx.msk [tilespmem:v55+s2+$0x0], $0xffff  }
0xa7: {  	v55 =	vor.u32 v12, v63;
	vm11 =	vgt.f32 v29, v20  }
0xa8: {  	v20 =	vsel vm11, v29, v20;
	v29 =	vld.idx.msk [tilespmem:v60+s2+$0x0], $0xffff;
	v60 =	vadd.s32 v46, v4  }
0xa9: {  	vm3 =	vgt.f32 v37, v20;
	v60 =	vand.u32 $0xFFFFFFF8, v60  }
0xaa: {  	v20 =	vsel vm3, v37, v20;
	v37 =	vld.idx.msk [tilespmem:v49+s2+$0x0], $0xffff;
	v49 =	vor.u32 v14, v60;
	v60 =	vadd.s32 v47, v4  }
0xab: {  	vm12 =	vgt.f32 v34, v20;
	v60 =	vand.u32 $0xFFFFFFF8, v60  }
0xac: {  	v5 =	vimm.s32 $0x15;
	v20 =	vsel vm12, v34, v20;
	v34 =	vld.idx.msk [tilespmem:v55+s2+$0x0], $0xffff;
	v55 =	vor.u32 v18, v60  }
0xad: {  	v63 =	vsel vm9, $0x16, v5  }
0xae: {  	v63 =	vsel vm10, $0x17, v63;
	vm13 =	vgt.f32 v29, v20  }
0xaf: {  	v60 =	vsel vm11, $0x18, v63;
	v20 =	vsel vm13, v29, v20;
	v49 =	vld.idx.msk [tilespmem:v49+s2+$0x0], $0xffff  }
0xb0: {  	v63 =	vadd.s32 v48, v4;
	v60 =	vsel vm3, $0x19, v60;
	vm14 =	vgt.f32 v37, v20  }
0xb1: {  	v29 =	vsel vm12, $0x1A, v60;
	v60 =	vadd.s32 v50, v4;
	v20 =	vsel vm14, v37, v20;
	v37 =	vld.idx.msk [tilespmem:v55+s2+$0x0], $0xffff  }
0xb2: {  	s17 =	sadd.s32 $0xFFFFFFFC, s31;
	v29 =	vsel vm13, $0x1B, v29;
	v60 =	vand.u32 $0xFFFFFFF8, v60;
	vm15 =	vgt.f32 v34, v20  }
0xb3: {  	v29 =	vsel vm14, $0x1C, v29;
	v55 =	vadd.s32 s17, v15;
	v20 =	vsel vm15, v34, v20  }
0xb4: {  	v29 =	vsel vm15, $0x1D, v29;
	v34 =	vand.u32 $0xFFFFFFF8, v63;
	vm4 =	vgt.f32 v49, v20  }
0xb5: {  	v34 =	vor.u32 v1, v34;
	v20 =	vsel vm4, v49, v20;
	v49 =	vor.u32 v3, v60  }
0xb6: {  	v60 =	vadd.s32 v51, v4;
	v29 =	vsel vm4, $0x1E, v29;
	vm5 =	vgt.f32 v37, v20  }
0xb7: {  	v20 =	vand.u32 $0xFFFFFFF8, v60;
	v29 =	vsel vm5, $0x1F, v29  }
0xb8: {  	v20 =	vor.u32 v6, v20;
	[tilespmem:v55+s11+$0x0] =	vst.idx.msk $0xffff, v29;
	v29 =	vadd.s32 v52, v4  }
0xb9: {  	v29 =	vand.u32 $0xFFFFFFF8, v29  }
0xba: {  	v60 =	vadd.s32 v53, v4;
	v34 =	vld.idx.msk [tilespmem:v34+s2+$0x0], $0xffff;
	v29 =	vor.u32 v8, v29  }
0xbb: {  	v55 =	vld.idx.msk [tilespmem:v49+s2+$0x0], $0xffff;
	v49 =	vand.u32 $0xFFFFFFF8, v60  }
0xbc: {  	v49 =	vor.u32 v10, v49  }
0xbd: {  	v20 =	vld.idx.msk [tilespmem:v20+s2+$0x0], $0xffff;
	_ =	sdelay $0x1  }
0xbe: {  	v29 =	vld.idx.msk [tilespmem:v29+s2+$0x0], $0xffff  }
0xbf: {  	vm6 =	vgt.f32 v55, v34  }
0xc0: {  	v5 =	vimm.s32 $0x20;
	v60 =	vadd.s32 v56, v4;
	v34 =	vsel vm6, v55, v34;
	v37 =	vld.idx.msk [tilespmem:v49+s2+$0x0], $0xffff  }
0xc1: {  	s17 =	sadd.s32 $0xFFFFFFFD, s31;
	v63 =	vadd.s32 v54, v4;
	v60 =	vand.u32 $0xFFFFFFF8, v60;
	vm7 =	vgt.f32 v20, v34  }
0xc2: {  	v49 =	vsel vm6, $0x21, v5;
	v55 =	vadd.s32 s17, v15;
	v20 =	vsel vm7, v20, v34  }
0xc3: {  	v34 =	vand.u32 $0xFFFFFFF8, v63;
	v49 =	vsel vm7, $0x22, v49;
	vm8 =	vgt.f32 v29, v20  }
0xc4: {  	v34 =	vor.u32 v12, v34;
	v20 =	vsel vm8, v29, v20;
	v29 =	vor.u32 v14, v60  }
0xc5: {  	v49 =	vsel vm8, $0x23, v49;
	vm9 =	vgt.f32 v37, v20;
	v20 =	vadd.s32 v57, v4  }
0xc6: {  	v37 =	vsel vm9, $0x24, v49;
	v20 =	vand.u32 $0xFFFFFFF8, v20  }
0xc7: {  	[tilespmem:v55+s11+$0x0] =	vst.idx.msk $0xffff, v37;
	v20 =	vor.u32 v18, v20;
	v55 =	vadd.s32 v58, v4  }
0xc8: {  	v37 =	vand.u32 $0xFFFFFFF8, v55  }
0xc9: {  	v34 =	vld.idx.msk [tilespmem:v34+s2+$0x0], $0xffff;
	v37 =	vor.u32 v1, v37  }
0xca: {  	v29 =	vld.idx.msk [tilespmem:v29+s2+$0x0], $0xffff;
	_ =	sdelay $0x1  }
0xcb: {  	v20 =	vld.idx.msk [tilespmem:v20+s2+$0x0], $0xffff;
	_ =	sdelay $0x1  }
0xcc: {  	v5 =	vimm.s32 $0x25;
	v60 =	vadd.s32 v59, v4;
	v37 =	vld.idx.msk [tilespmem:v37+s2+$0x0], $0xffff  }
0xcd: {  	s17 =	sadd.s32 $0xFFFFFFFE, s31;
	v49 =	vand.u32 $0xFFFFFFF8, v60;
	v60 =	vadd.s32 v61, v4;
	vm10 =	vgt.f32 v29, v34  }
0xce: {  	v49 =	vor.u32 v3, v49;
	v55 =	vadd.s32 s17, v15;
	v29 =	vsel vm10, v29, v34  }
0xcf: {  	v60 =	vand.u32 $0xFFFFFFF8, v60;
	v34 =	vsel vm10, $0x26, v5;
	vm11 =	vgt.f32 v20, v29  }
0xd0: {  	v20 =	vsel vm11, v20, v29;
	v29 =	vor.u32 v6, v60;
	v60 =	vadd.s32 v62, v4  }
0xd1: {  	v34 =	vsel vm11, $0x27, v34;
	vm12 =	vgt.f32 v37, v20;
	v20 =	vand.u32 $0xFFFFFFF8, v60  }
0xd2: {  	v63 =	vadd.s32 v22, v4;
	v34 =	vsel vm12, $0x28, v34;
	v20 =	vor.u32 v8, v20  }
0xd3: {  	v60 =	vadd.s32 $0x2D, v0;
	[tilespmem:v55+s11+$0x0] =	vst.idx.msk $0xffff, v34;
	v55 =	vand.u32 $0xFFFFFFF8, v63  }
0xd4: {  	v37 =	vadd.s32 v60, v4;
	v49 =	vld.idx.msk [tilespmem:v49+s2+$0x0], $0xffff;
	v34 =	vor.u32 v10, v55  }
0xd5: {  	v37 =	vand.u32 $0xFFFFFFF8, v37;
	v63 =	vadd.s32 $0x2E, v0;
	v29 =	vld.idx.msk [tilespmem:v29+s2+$0x0], $0xffff  }
0xd6: {  	v37 =	vor.u32 v12, v37;
	v55 =	vadd.s32 v63, v4  }
0xd7: {  	v55 =	vand.u32 $0xFFFFFFF8, v55;
	v20 =	vld.idx.msk [tilespmem:v20+s2+$0x0], $0xffff  }
0xd8: {  	v60 =	vadd.s32 $0x2F, v0;
	v55 =	vor.u32 v14, v55  }
0xd9: {  	v60 =	vadd.s32 v60, v4;
	v34 =	vld.idx.msk [tilespmem:v34+s2+$0x0], $0xffff  }
0xda: {  	v60 =	vand.u32 $0xFFFFFFF8, v60;
	vm13 =	vgt.f32 v29, v49  }
0xdb: {  	v37 =	vld.idx.msk [tilespmem:v37+s2+$0x0], $0xffff;
	v29 =	vsel vm13, v29, v49;
	v49 =	vor.u32 v18, v60;
	v60 =	vadd.s32 $0x30, v0  }
0xdc: {  	v5 =	vimm.s32 $0x29;
	vm14 =	vgt.f32 v20, v29;
	v60 =	vadd.s32 v60, v4  }
0xdd: {  	v63 =	vsel vm13, $0x2A, v5;
	v20 =	vsel vm14, v20, v29;
	v29 =	vld.idx.msk [tilespmem:v55+s2+$0x0], $0xffff;
	v60 =	vand.u32 $0xFFFFFFF8, v60  }
0xde: {  	vm15 =	vgt.f32 v34, v20;
	v55 =	vor.u32 v1, v60;
	v60 =	vadd.s32 $0x31, v0  }
0xdf: {  	v5 =	vmovc v2;
	v2 =	vadd.s32 $0x37, v0;
	v20 =	vsel vm15, v34, v20;
	v34 =	vadd.s32 v60, v4  }
0xe0: {  	v2 =	vadd.s32 v2, v4;
	vm4 =	vgt.f32 v37, v20;
	v49 =	vld.idx.msk [tilespmem:v49+s2+$0x0], $0xffff;
	v34 =	vand.u32 $0xFFFFFFF8, v34  }
0xe1: {  	v20 =	vsel vm4, v37, v20;
	v34 =	vor.u32 v3, v34;
	v37 =	vadd.s32 $0x32, v0  }
0xe2: {  	v63 =	vsel vm14, $0x2B, v63;
	vm5 =	vgt.f32 v29, v20;
	v37 =	vadd.s32 v37, v4  }
0xe3: {  	v20 =	vsel vm5, v29, v20;
	v29 =	vld.idx.msk [tilespmem:v55+s2+$0x0], $0xffff;
	v37 =	vand.u32 $0xFFFFFFF8, v37;
	v55 =	vadd.s32 $0x33, v0  }
0xe4: {  	v60 =	vsel vm15, $0x2C, v63;
	v37 =	vor.u32 v6, v37;
	v55 =	vadd.s32 v55, v4  }
0xe5: {  	v63 =	vadd.s32 $0x34, v0;
	vm6 =	vgt.f32 v49, v20;
	v55 =	vand.u32 $0xFFFFFFF8, v55  }
0xe6: {  	v20 =	vsel vm6, v49, v20;
	v34 =	vld.idx.msk [tilespmem:v34+s2+$0x0], $0xffff;
	v49 =	vor.u32 v8, v55;
	v55 =	vadd.s32 v63, v4  }
0xe7: {  	v2 =	vand.u32 $0xFFFFFFF8, v2;
	v63 =	vadd.s32 $0x35, v0;
	v55 =	vand.u32 $0xFFFFFFF8, v55  }
0xe8: {  	v63 =	vadd.s32 v63, v4;
	vm7 =	vgt.f32 v29, v20;
	v55 =	vor.u32 v10, v55  }
0xe9: {  	v20 =	vsel vm7, v29, v20;
	v29 =	vld.idx.msk [tilespmem:v37+s2+$0x0], $0xffff;
	v37 =	vand.u32 $0xFFFFFFF8, v63;
	v63 =	vadd.s32 $0x36, v0  }
0xea: {  	v60 =	vsel vm4, $0x2D, v60;
	v37 =	vor.u32 v12, v37;
	v63 =	vadd.s32 v63, v4  }
0xeb: {  	v60 =	vsel vm5, $0x2E, v60;
	vm8 =	vgt.f32 v34, v20;
	v49 =	vld.idx.msk [tilespmem:v49+s2+$0x0], $0xffff;
	v63 =	vand.u32 $0xFFFFFFF8, v63  }
0xec: {  	v60 =	vsel vm6, $0x2F, v60;
	v20 =	vsel vm8, v34, v20;
	v34 =	vor.u32 v14, v63  }
0xed: {  	v2 =	vor.u32 v18, v2;
	v60 =	vsel vm7, $0x30, v60;
	v63 =	vadd.s32 $0x38, v0;
	v55 =	vld.idx.msk [tilespmem:v55+s2+$0x0], $0xffff  }
0xee: {  	v60 =	vsel vm8, $0x31, v60;
	v63 =	vadd.s32 v63, v4;
	vm9 =	vgt.f32 v29, v20  }
0xef: {  	v20 =	vsel vm9, v29, v20;
	v29 =	vld.idx.msk [tilespmem:v37+s2+$0x0], $0xffff;
	v37 =	vand.u32 $0xFFFFFFF8, v63;
	v63 =	vadd.s32 $0x39, v0  }
0xf0: {  	vm10 =	vgt.f32 v49, v20;
	v37 =	vor.u32 v1, v37;
	v63 =	vadd.s32 v63, v4  }
0xf1: {  	v20 =	vsel vm10, v49, v20;
	v34 =	vld.idx.msk [tilespmem:v34+s2+$0x0], $0xffff;
	v49 =	vand.u32 $0xFFFFFFF8, v63;
	v63 =	vadd.s32 $0x3A, v0  }
0xf2: {  	vm11 =	vgt.f32 v55, v20;
	v49 =	vor.u32 v3, v49;
	v63 =	vadd.s32 v63, v4  }
0xf3: {  	v2 =	vld.idx.msk [tilespmem:v2+s2+$0x0], $0xffff;
	v60 =	vsel vm9, $0x32, v60;
	v20 =	vsel vm11, v55, v20;
	v63 =	vand.u32 $0xFFFFFFF8, v63  }
0xf4: {  	vm12 =	vgt.f32 v29, v20;
	v55 =	vor.u32 v6, v63;
	v63 =	vadd.s32 $0x3B, v0  }
0xf5: {  	v60 =	vsel vm10, $0x33, v60;
	v20 =	vsel vm12, v29, v20;
	v29 =	vld.idx.msk [tilespmem:v37+s2+$0x0], $0xffff;
	v37 =	vadd.s32 v63, v4  }
0xf6: {  	v60 =	vsel vm11, $0x34, v60;
	vm13 =	vgt.f32 v34, v20;
	v37 =	vand.u32 $0xFFFFFFF8, v37  }
0xf7: {  	v20 =	vsel vm13, v34, v20;
	v34 =	vld.idx.msk [tilespmem:v49+s2+$0x0], $0xffff;
	v37 =	vor.u32 v8, v37;
	v49 =	vadd.s32 $0x3C, v0  }
0xf8: {  	v60 =	vsel vm12, $0x35, v60;
	vm14 =	vgt.f32 v2, v20;
	v49 =	vadd.s32 v49, v4  }
0xf9: {  	v63 =	vadd.s32 $0x3E, v0;
	v2 =	vsel vm14, v2, v20;
	v20 =	vld.idx.msk [tilespmem:v55+s2+$0x0], $0xffff;
	v49 =	vand.u32 $0xFFFFFFF8, v49  }
0xfa: {  	v55 =	vadd.s32 $0x3D, v0;
	vm15 =	vgt.f32 v29, v2;
	v49 =	vor.u32 v10, v49  }
0xfb: {  	v60 =	vsel vm13, $0x36, v60;
	v2 =	vsel vm15, v29, v2;
	v29 =	vadd.s32 v55, v4  }
0xfc: {  	v60 =	vsel vm14, $0x37, v60;
	vm4 =	vgt.f32 v34, v2;
	v37 =	vld.idx.msk [tilespmem:v37+s2+$0x0], $0xffff;
	v29 =	vand.u32 $0xFFFFFFF8, v29  }
0xfd: {  	v60 =	vsel vm15, $0x38, v60;
	v2 =	vsel vm4, v34, v2;
	v29 =	vor.u32 v12, v29  }
0xfe: {  	v55 =	vsel vm4, $0x39, v60;
	v34 =	vadd.s32 v63, v4;
	vm5 =	vgt.f32 v20, v2  }
0xff: {  	v60 =	vadd.s32 $0x3F, v0;
	v34 =	vand.u32 $0xFFFFFFF8, v34;
	v2 =	vsel vm5, v20, v2;
	v20 =	vld.idx.msk [tilespmem:v49+s2+$0x0], $0xffff  }
0x100: {  	v34 =	vor.u32 v14, v34;
	v49 =	vadd.s32 v60, v4;
	v60 =	vadd.s32 $0x40, v0  }
0x101: {  	v49 =	vand.u32 $0xFFFFFFF8, v49;
	v63 =	vadd.s32 v60, v4;
	vm6 =	vgt.f32 v37, v2  }
0x102: {  	v60 =	vadd.s32 $0x41, v0;
	v2 =	vsel vm6, v37, v2;
	v29 =	vld.idx.msk [tilespmem:v29+s2+$0x0], $0xffff;
	v37 =	vor.u32 v18, v49  }
0x103: {  	v55 =	vsel vm5, $0x3A, v55;
	v60 =	vadd.s32 v60, v4;
	v49 =	vand.u32 $0xFFFFFFF8, v63  }
0x104: {  	v55 =	vsel vm6, $0x3B, v55;
	v49 =	vor.u32 v1, v49;
	vm7 =	vgt.f32 v20, v2  }
0x105: {  	v2 =	vsel vm7, v20, v2;
	v20 =	vld.idx.msk [tilespmem:v34+s2+$0x0], $0xffff;
	v34 =	vand.u32 $0xFFFFFFF8, v60;
	v60 =	vadd.s32 $0x42, v0  }
0x106: {  	v63 =	vadd.s32 $0x43, v0;
	v34 =	vor.u32 v3, v34;
	v60 =	vadd.s32 v60, v4  }
0x107: {  	v55 =	vsel vm7, $0x3C, v55;
	vm8 =	vgt.f32 v29, v2;
	v37 =	vld.idx.msk [tilespmem:v37+s2+$0x0], $0xffff;
	v60 =	vand.u32 $0xFFFFFFF8, v60  }
0x108: {  	v2 =	vsel vm8, v29, v2;
	v29 =	vor.u32 v6, v60;
	v60 =	vadd.s32 v63, v4  }
0x109: {  	v55 =	vsel vm8, $0x3D, v55;
	v49 =	vld.idx.msk [tilespmem:v49+s2+$0x0], $0xffff;
	v63 =	vadd.s32 $0x44, v0;
	v60 =	vand.u32 $0xFFFFFFF8, v60  }
0x10a: {  	v63 =	vadd.s32 v63, v4;
	vm9 =	vgt.f32 v20, v2;
	v60 =	vor.u32 v8, v60  }
0x10b: {  	v2 =	vsel vm9, v20, v2;
	v20 =	vld.idx.msk [tilespmem:v34+s2+$0x0], $0xffff;
	v34 =	vand.u32 $0xFFFFFFF8, v63;
	v63 =	vadd.s32 $0x45, v0  }
0x10c: {  	vm10 =	vgt.f32 v37, v2;
	v34 =	vor.u32 v10, v34;
	v63 =	vadd.s32 v63, v4  }
0x10d: {  	v2 =	vsel vm10, v37, v2;
	v29 =	vld.idx.msk [tilespmem:v29+s2+$0x0], $0xffff;
	v37 =	vand.u32 $0xFFFFFFF8, v63;
	v63 =	vadd.s32 $0x46, v0  }
0x10e: {  	vm11 =	vgt.f32 v49, v2;
	v37 =	vor.u32 v12, v37;
	v63 =	vadd.s32 v63, v4  }
0x10f: {  	v2 =	vsel vm11, v49, v2;
	v49 =	vld.idx.msk [tilespmem:v60+s2+$0x0], $0xffff;
	v60 =	vand.u32 $0xFFFFFFF8, v63;
	v63 =	vadd.s32 $0x47, v0  }
0x110: {  	vm12 =	vgt.f32 v20, v2;
	v60 =	vor.u32 v14, v60;
	v63 =	vadd.s32 v63, v4  }
0x111: {  	v2 =	vsel vm12, v20, v2;
	v20 =	vld.idx.msk [tilespmem:v34+s2+$0x0], $0xffff;
	v34 =	vand.u32 $0xFFFFFFF8, v63;
	v63 =	vadd.s32 $0x48, v0  }
0x112: {  	vm4 =	vgt.f32 v29, v2;
	v34 =	vor.u32 v18, v34;
	v63 =	vadd.s32 v63, v4  }
0x113: {  	v2 =	vsel vm4, v29, v2;
	v29 =	vld.idx.msk [tilespmem:v37+s2+$0x0], $0xffff;
	v37 =	vand.u32 $0xFFFFFFF8, v63;
	v63 =	vadd.s32 $0x49, v0  }
0x114: {  	vm5 =	vgt.f32 v49, v2;
	v37 =	vor.u32 v1, v37;
	v63 =	vadd.s32 v63, v4  }
0x115: {  	v2 =	vsel vm5, v49, v2;
	v49 =	vld.idx.msk [tilespmem:v60+s2+$0x0], $0xffff;
	v60 =	vand.u32 $0xFFFFFFF8, v63;
	v63 =	vadd.s32 $0x4A, v0  }
0x116: {  	vm6 =	vgt.f32 v20, v2;
	v60 =	vor.u32 v3, v60;
	v63 =	vadd.s32 v63, v4  }
0x117: {  	v2 =	vsel vm6, v20, v2;
	v20 =	vsel vm9, $0x3E, v55;
	v34 =	vld.idx.msk [tilespmem:v34+s2+$0x0], $0xffff;
	v55 =	vand.u32 $0xFFFFFFF8, v63  }
0x118: {  	vm13 =	vgt.f32 v29, v2;
	v55 =	vor.u32 v6, v55  }
0x119: {  	v20 =	vsel vm10, $0x3F, v20;
	v2 =	vsel vm13, v29, v2;
	v29 =	vld.idx.msk [tilespmem:v37+s2+$0x0], $0xffff  }
0x11a: {  	v20 =	vsel vm11, $0x40, v20;
	v37 =	vadd.s32 $0x4B, v0;
	vm14 =	vgt.f32 v49, v2  }
0x11b: {  	v20 =	vsel vm12, $0x41, v20;
	v37 =	vadd.s32 v37, v4;
	v2 =	vsel vm14, v49, v2;
	v49 =	vld.idx.msk [tilespmem:v60+s2+$0x0], $0xffff  }
0x11c: {  	v20 =	vsel vm4, $0x42, v20;
	v37 =	vand.u32 $0xFFFFFFF8, v37;
	vm15 =	vgt.f32 v34, v2  }
0x11d: {  	v20 =	vsel vm5, $0x43, v20;
	v37 =	vor.u32 v8, v37;
	v2 =	vsel vm15, v34, v2;
	v60 =	vld.idx.msk [tilespmem:v55+s2+$0x0], $0xffff  }
0x11e: {  	v20 =	vsel vm6, $0x44, v20;
	vm4 =	vgt.f32 v29, v2  }
0x11f: {  	v20 =	vsel vm13, $0x45, v20;
	v2 =	vsel vm4, v29, v2  }
0x120: {  	v20 =	vsel vm14, $0x46, v20;
	vm5 =	vgt.f32 v49, v2  }
0x121: {  	s17 =	sadd.s32 $0xFFFFFFFF, s31;
	v55 =	vadd.s32 $0x4C, v0;
	v20 =	vsel vm15, $0x47, v20;
	v2 =	vsel vm5, v49, v2  }
0x122: {  	v20 =	vsel vm4, $0x48, v20;
	v29 =	vld.idx.msk [tilespmem:v37+s2+$0x0], $0xffff;
	v49 =	vadd.s32 s17, v15;
	vm6 =	vgt.f32 v60, v2  }
0x123: {  	v2 =	vsel vm6, v60, v2;
	v60 =	vadd.s32 v55, v4;
	v55 =	vadd.s32 $0x4D, v0  }
0x124: {  	v20 =	vsel vm5, $0x49, v20;
	v34 =	vand.u32 $0xFFFFFFF8, v60;
	v37 =	vadd.s32 v55, v4  }
0x125: {  	v60 =	vadd.s32 $0x4E, v0;
	v34 =	vor.u32 v10, v34;
	v37 =	vand.u32 $0xFFFFFFF8, v37  }
0x126: {  	v20 =	vsel vm6, $0x4A, v20;
	v55 =	vadd.s32 v60, v4;
	v37 =	vor.u32 v12, v37  }
0x127: {  	vm7 =	vgt.f32 v29, v2;
	v2 =	vand.u32 $0xFFFFFFF8, v55;
	v29 =	vadd.s32 $0x4F, v0  }
0x128: {  	v20 =	vsel vm7, $0x4B, v20;
	v2 =	vor.u32 v14, v2;
	v29 =	vadd.s32 v29, v4  }
0x129: {  	[tilespmem:v49+s11+$0x0] =	vst.idx.msk $0xffff, v20;
	v20 =	vand.u32 $0xFFFFFFF8, v29;
	v29 =	vadd.s32 $0x50, v0  }
0x12a: {  	v20 =	vor.u32 v18, v20;
	v29 =	vadd.s32 v29, v4;
	v34 =	vld.idx.msk [tilespmem:v34+s2+$0x0], $0xffff  }
0x12b: {  	v55 =	vadd.s32 $0x51, v0;
	v29 =	vand.u32 $0xFFFFFFF8, v29;
	v37 =	vld.idx.msk [tilespmem:v37+s2+$0x0], $0xffff  }
0x12c: {  	v49 =	vadd.s32 v55, v4;
	v29 =	vor.u32 v1, v29  }
0x12d: {  	v60 =	vadd.s32 $0x52, v0;
	v49 =	vand.u32 $0xFFFFFFF8, v49;
	v2 =	vld.idx.msk [tilespmem:v2+s2+$0x0], $0xffff  }
0x12e: {  	v55 =	vadd.s32 v60, v4;
	v49 =	vor.u32 v3, v49  }
0x12f: {  	v60 =	vadd.s32 $0x53, v0;
	v55 =	vand.u32 $0xFFFFFFF8, v55;
	v20 =	vld.idx.msk [tilespmem:v20+s2+$0x0], $0xffff  }
0x130: {  	v60 =	vadd.s32 v60, v4;
	v55 =	vor.u32 v6, v55;
	vm8 =	vgt.f32 v37, v34  }
0x131: {  	v29 =	vld.idx.msk [tilespmem:v29+s2+$0x0], $0xffff;
	v34 =	vsel vm8, v37, v34;
	v37 =	vand.u32 $0xFFFFFFF8, v60;
	v60 =	vadd.s32 $0x54, v0  }
0x132: {  	v4 =	vadd.s32 v60, v4;
	vm9 =	vgt.f32 v2, v34;
	v37 =	vor.u32 v8, v37  }
0x133: {  	v2 =	vsel vm9, v2, v34;
	v34 =	vld.idx.msk [tilespmem:v49+s2+$0x0], $0xffff;
	v4 =	vand.u32 $0xFFFFFFF8, v4  }
0x134: {  	vm10 =	vgt.f32 v20, v2;
	v4 =	vor.u32 v10, v4  }
0x135: {  	v2 =	vsel vm10, v20, v2;
	v20 =	vld.idx.msk [tilespmem:v55+s2+$0x0], $0xffff  }
0x136: {  	vm11 =	vgt.f32 v29, v2  }
0x137: {  	v49 =	vmov v11;
	v11 =	vimm.s32 $0x4C;
	v2 =	vsel vm11, v29, v2;
	v29 =	vld.idx.msk [tilespmem:v37+s2+$0x0], $0xffff  }
0x138: {  	v60 =	vsel vm8, $0x4D, v11;
	vm12 =	vgt.f32 v34, v2  }
0x139: {  	v37 =	vsel vm9, $0x4E, v60;
	v2 =	vsel vm12, v34, v2;
	v4 =	vld.idx.msk [tilespmem:v4+s2+$0x0], $0xffff  }
0x13a: {  	v37 =	vsel vm10, $0x4F, v37;
	vm13 =	vgt.f32 v20, v2  }
0x13b: {  	v60 =	vadd.s32 s31, v15;
	v2 =	vsel vm13, v20, v2;
	v20 =	vsel vm11, $0x50, v37  }
0x13c: {  	v34 =	vand.u32 $0x3FF8, v60;
	v20 =	vsel vm12, $0x51, v20;
	vm14 =	vgt.f32 v29, v2  }
0x13d: {  	p1 =	sne.s32 s31, $0x1178;
	v34 =	vor.u32 v16, v34;
	v2 =	vsel vm14, v29, v2;
	v20 =	vsel vm13, $0x52, v20  }
.Ltmp0:
0x13e: {  	vm15 =	vgt.f32 v4, v2;
	v2 =	vsel vm14, $0x53, v20;
	(pc) =	sbr.rel @p1 .LBB2_2-.Ltmp0, $3  }
0x13f: {  	v2 =	vsel vm15, $0x54, v2;
	_ =	sdelay $0x1  }
0x140: {  	v63 =	vmov v19;
	v19 =	vmov v21;
	v21 =	vimm.s32 $0x7  }
0x141: {  	s1 =	sadd.s32 $0x10, s1;
	v55 =	vmovc v13;
	s31 =	sadd.s32 $0x90, s31;
	v37 =	vmovc v9;
	[tilespmem:v34+s11+$0x0] =	vst.idx.msk $0xffff, v2;
	v34 =	vmov v7;
	v2 =	vmov v5;
	v5 =	vimm.s32 $0x0  }
0x142: {  	[bflag:$0x0] =	sbarrier.arrive $0xFFFF  }
0x143: {  	[tilespmem:s13], [sflag:$0x1] =	stream.indirect.gather [spmem:s0], $0x40, s11, s12, $0xb8;
	[tilespmem:$0x14D58] =	vst v63  }
0x144: {  	s1 =	simm.s32 $0xAA80  }
0x145: {  	[tilespmem:s15], [sflag:$0x1] =	stream.indirect.gather [spmem:s0], $0x40, s1, s12, $0xb8;
	[tilespmem:$0x14D58] =	vst v63  }
0x146: {  	s14 =	simm.s32 $0xAB00  }
0x147: {  	[tilespmem:s18], [sflag:$0x1] =	stream.indirect.gather [spmem:s0], $0x40, s14, s16, $0xb8;
	[tilespmem:$0x14D58] =	vst v63  }
0x148: {  	_ =	swait.ge [sflag:s19], $0x2000  }
0x149: {  	[sflag:s19] =	ssyncset.done $0x0  }
0x14a: {  	[sflag:s19] =	ssyncadd.s32 $0xFFFFE000  }
0x14b: {  	_ =	swait.ge [sflag:s19], $0x2000  }
0x14c: {  	[sflag:s19] =	ssyncset.done $0x0  }
0x14d: {  	[sflag:s19] =	ssyncadd.s32 $0xFFFFE000  }
0x14e: {  	_ =	swait.ge [sflag:s19], $0x800  }
0x14f: {  	[sflag:s19] =	ssyncset.done $0x0  }
0x150: {  	s17 =	simm.s32 $0x0;
	[sflag:s19] =	ssyncadd.s32 $0xFFFFF800  }
0x151: {  	[hbm4b:s4+s17] =	stream.linear.scatter [tilespmem:s13], [sflag:$0x3], $0x4800, $0x38;
	[tilespmem:$0x14D58] =	vst v63  }
0x152: {  	_ = 	snop  }
0x153: {  	[tilespmem:s21], [sflag:$0x2] =	stream.indirect.gather [spmem:s0], $0x40, s20, s12, $0xb8;
	[tilespmem:$0x14D58] =	vst v63  }
0x154: {  	_ = 	snop  }
0x155: {  	[tilespmem:s23], [sflag:$0x2] =	stream.indirect.gather [spmem:s0], $0x40, s22, s12, $0xb8;
	[tilespmem:$0x14D58] =	vst v63  }
0x156: {  	_ = 	snop  }
0x157: {  	[tilespmem:s25], [sflag:$0x2] =	stream.indirect.gather [spmem:s0], $0x40, s24, s16, $0xb8;
	[tilespmem:$0x14D58] =	vst v63  }
0x158: {  	_ =	swait.ge [sflag:s26], $0x2000  }
0x159: {  	[sflag:s26] =	ssyncset.done $0x0  }
0x15a: {  	[sflag:s26] =	ssyncadd.s32 $0xFFFFE000  }
0x15b: {  	_ =	swait.ge [sflag:s26], $0x2000  }
0x15c: {  	[sflag:s26] =	ssyncset.done $0x0  }
0x15d: {  	[sflag:s26] =	ssyncadd.s32 $0xFFFFE000  }
0x15e: {  	_ =	swait.ge [sflag:s26], $0x800  }
0x15f: {  	[sflag:s26] =	ssyncset.done $0x0  }
0x160: {  	[sflag:s26] =	ssyncadd.s32 $0xFFFFF800  }
0x161: {  	[hbm4b:s6+s17] =	stream.linear.scatter [tilespmem:s21], [sflag:$0x4], $0x4800, $0x38;
	[tilespmem:$0x14D58] =	vst v63  }
0x162: {  	_ =	swait.ge [sflag:s28], $0x4800  }
0x163: {  	[sflag:s28] =	ssyncset.done $0x0  }
0x164: {  	s14 =	simm.s32 $0xAC40;
	[sflag:s28] =	ssyncadd.s32 $0xFFFFB800  }
0x165: {  	[tilespmem:s13], [sflag:$0x1] =	stream.indirect.gather [spmem:s0], $0x40, s14, s12, $0xb8;
	[tilespmem:$0x14D58] =	vst v63  }
0x166: {  	s17 =	simm.s32 $0xACC0  }
0x167: {  	[tilespmem:s15], [sflag:$0x1] =	stream.indirect.gather [spmem:s0], $0x40, s17, s12, $0xb8;
	[tilespmem:$0x14D58] =	vst v63  }
0x168: {  	s14 =	simm.s32 $0xAD40  }
0x169: {  	[tilespmem:s18], [sflag:$0x1] =	stream.indirect.gather [spmem:s0], $0x40, s14, s16, $0xb8;
	[tilespmem:$0x14D58] =	vst v63  }
0x16a: {  	_ =	swait.ge [sflag:s19], $0x2000  }
0x16b: {  	[sflag:s19] =	ssyncset.done $0x0  }
0x16c: {  	[sflag:s19] =	ssyncadd.s32 $0xFFFFE000  }
0x16d: {  	_ =	swait.ge [sflag:s19], $0x2000  }
0x16e: {  	[sflag:s19] =	ssyncset.done $0x0  }
0x16f: {  	[sflag:s19] =	ssyncadd.s32 $0xFFFFE000  }
0x170: {  	_ =	swait.ge [sflag:s19], $0x800  }
0x171: {  	[sflag:s19] =	ssyncset.done $0x0  }
0x172: {  	[sflag:s19] =	ssyncadd.s32 $0xFFFFF800  }
0x173: {  	[hbm4b:s8+s2] =	stream.linear.scatter [tilespmem:s13], [sflag:$0x3], $0x4800, $0x38;
	[tilespmem:$0x14D58] =	vst v63  }
0x174: {  	_ =	swait.ge [sflag:s29], $0x4800  }
0x175: {  	[sflag:s29] =	ssyncset.done $0x0  }
0x176: {  	s17 =	simm.s32 $0xAD60;
	[sflag:s29] =	ssyncadd.s32 $0xFFFFB800  }
0x177: {  	[tilespmem:s21], [sflag:$0x2] =	stream.indirect.gather [spmem:s0], $0x40, s17, s12, $0xb8;
	[tilespmem:$0x14D58] =	vst v63  }
0x178: {  	s14 =	simm.s32 $0xADE0  }
0x179: {  	[tilespmem:s23], [sflag:$0x2] =	stream.indirect.gather [spmem:s0], $0x40, s14, s12, $0xb8;
	[tilespmem:$0x14D58] =	vst v63  }
0x17a: {  	s17 =	simm.s32 $0xAE60  }
0x17b: {  	[tilespmem:s25], [sflag:$0x2] =	stream.indirect.gather [spmem:s0], $0x40, s17, s16, $0xb8;
	[tilespmem:$0x14D58] =	vst v63  }
0x17c: {  	_ =	swait.ge [sflag:s26], $0x2000  }
0x17d: {  	[sflag:s26] =	ssyncset.done $0x0  }
0x17e: {  	[sflag:s26] =	ssyncadd.s32 $0xFFFFE000  }
0x17f: {  	_ =	swait.ge [sflag:s26], $0x2000  }
0x180: {  	[sflag:s26] =	ssyncset.done $0x0  }
0x181: {  	[sflag:s26] =	ssyncadd.s32 $0xFFFFE000  }
0x182: {  	_ =	swait.ge [sflag:s26], $0x800  }
0x183: {  	s31 =	sadd.s32 $0x1200, s8;
	[sflag:s26] =	ssyncset.done $0x0  }
0x184: {  	s1 =	simm.s32 $0x900;
	s14 =	sadd.s32 $0x900, s8;
	[sflag:s26] =	ssyncadd.s32 $0xFFFFF800  }
.LBB2_4:
0x185: {  	[hbm4b:s14+s2] =	stream.linear.scatter [tilespmem:s21], [sflag:$0x4], $0x4800, $0x38;
	[tilespmem:$0x14D58] =	vst v63  }
0x186: {  	s14 =	smov.u32 s1  }
0x187: {  	p1 =	sne.s32 s1, $0x3600;
	s1 =	sadd.s32 $0x900, s1;
	_ =	swait.ge [sflag:s28], $0x4800  }
0x188: {  	s14 =	sshra.s32 s14, $0x2;
	[sflag:s28] =	ssyncset.done $0x0  }
0x189: {  	s17 =	sadd.s32 $0xAC40, s14;
	[sflag:s28] =	ssyncadd.s32 $0xFFFFB800  }
0x18a: {  	[tilespmem:s13], [sflag:$0x1] =	stream.indirect.gather [spmem:s0], $0x40, s17, s12, $0xb8;
	[tilespmem:$0x14D58] =	vst v63  }
0x18b: {  	s17 =	sadd.s32 $0xACC0, s14  }
0x18c: {  	[tilespmem:s15], [sflag:$0x1] =	stream.indirect.gather [spmem:s0], $0x40, s17, s12, $0xb8;
	[tilespmem:$0x14D58] =	vst v63  }
0x18d: {  	s17 =	sadd.s32 $0xAD40, s14  }
0x18e: {  	[tilespmem:s18], [sflag:$0x1] =	stream.indirect.gather [spmem:s0], $0x40, s17, s16, $0xb8;
	[tilespmem:$0x14D58] =	vst v63  }
0x18f: {  	_ =	swait.ge [sflag:s19], $0x2000  }
0x190: {  	[sflag:s19] =	ssyncset.done $0x0  }
0x191: {  	[sflag:s19] =	ssyncadd.s32 $0xFFFFE000  }
0x192: {  	_ =	swait.ge [sflag:s19], $0x2000  }
0x193: {  	[sflag:s19] =	ssyncset.done $0x0  }
0x194: {  	[sflag:s19] =	ssyncadd.s32 $0xFFFFE000  }
0x195: {  	_ =	swait.ge [sflag:s19], $0x800  }
0x196: {  	[sflag:s19] =	ssyncset.done $0x0  }
0x197: {  	[sflag:s19] =	ssyncadd.s32 $0xFFFFF800  }
0x198: {  	[hbm4b:s31+s2] =	stream.linear.scatter [tilespmem:s13], [sflag:$0x3], $0x4800, $0x38;
	[tilespmem:$0x14D58] =	vst v63  }
0x199: {  	_ =	swait.ge [sflag:s29], $0x4800  }
0x19a: {  	[sflag:s29] =	ssyncset.done $0x0  }
0x19b: {  	s17 =	sadd.s32 $0xAD60, s14;
	[sflag:s29] =	ssyncadd.s32 $0xFFFFB800  }
0x19c: {  	[tilespmem:s21], [sflag:$0x2] =	stream.indirect.gather [spmem:s0], $0x40, s17, s12, $0xb8;
	[tilespmem:$0x14D58] =	vst v63  }
0x19d: {  	s17 =	sadd.s32 $0xADE0, s14  }
0x19e: {  	[tilespmem:s23], [sflag:$0x2] =	stream.indirect.gather [spmem:s0], $0x40, s17, s12, $0xb8;
	[tilespmem:$0x14D58] =	vst v63  }
0x19f: {  	s14 =	sadd.s32 $0xAE60, s14  }
0x1a0: {  	[tilespmem:s25], [sflag:$0x2] =	stream.indirect.gather [spmem:s0], $0x40, s14, s16, $0xb8;
	[tilespmem:$0x14D58] =	vst v63  }
0x1a1: {  	_ =	swait.ge [sflag:s26], $0x2000  }
0x1a2: {  	[sflag:s26] =	ssyncset.done $0x0  }
0x1a3: {  	[sflag:s26] =	ssyncadd.s32 $0xFFFFE000  }
0x1a4: {  	_ =	swait.ge [sflag:s26], $0x2000  }
.Ltmp1:
0x1a5: {  	[sflag:s26] =	ssyncset.done $0x0;
	(pc) =	sbr.rel @p1 .LBB2_4-.Ltmp1, $4  }
0x1a6: {  	[sflag:s26] =	ssyncadd.s32 $0xFFFFE000  }
0x1a7: {  	_ =	swait.ge [sflag:s26], $0x800  }
0x1a8: {  	[sflag:s26] =	ssyncset.done $0x0  }
0x1a9: {  	s14 =	sadd.s32 $0x900, s31;
	s31 =	sadd.s32 $0x1200, s31;
	[sflag:s26] =	ssyncadd.s32 $0xFFFFF800  }
0x1aa: {  	[hbm4b:s14+s2] =	stream.linear.scatter [tilespmem:s21], [sflag:$0x4], $0x4800, $0x38;
	[tilespmem:$0x14D58] =	vst v63  }
0x1ab: {  	s30 =	sadd.s32 $0x1, s30  }
0x1ac: {  	_ =	swait.ge [sflag:s28], $0x4800;
	p1 =	sne.s32 s30, s7  }
.Ltmp2:
0x1ad: {  	[sflag:s28] =	ssyncset.done $0x0;
	(pc) =	sbr.rel @p1 .LBB2_1-.Ltmp2, $4  }
0x1ae: {  	[sflag:s28] =	ssyncadd.s32 $0xFFFFB800  }
0x1af: {  	_ =	swait.ge [sflag:s29], $0x4800  }
0x1b0: {  	[sflag:s29] =	ssyncset.done $0x0  }
0x1b1: {  	[sflag:s29] =	ssyncadd.s32 $0xFFFFB800  }
0x1b2: {  	_ =	sfence.sel $0x180000  }
0x1b3: {  	[bflag:$0x0] =	sbarrier.arrive $0xFFFF  }
0x1b4: {  	_ =	strace $0x90000047  }
0x1b5: {  	[bflag:$0x2] =	sbarrier.arrive $0xFFFF  }
0x1b6: {  	s0 =	rddreg [dreg:$0x3]  }
0x1b7: {  	s0 =	sadd.s32 @!p0 $0x100000, s0  }
0x1b8: {  	[sflag:s0] =	ssyncadd.tile.s32 @!p0 $0x1;
	_ =	shalt  }
.Lfunc_end2:
_tile_overlayer_lowered:
.L_overlay_start_2:
0x1b9: {  	(tag) =	ssettag $0x2  }
0x1ba: {  	s0 =	rddreg [dreg:$0x0];
	s2 =	stileid.u32  }
0x1bb: {  	s1 =	rddreg [dreg:$0x1];
	p0 =	sne.s32 s2, $0x0  }
0x1bc: {  	s3 =	rddreg [dreg:$0x2];
	[bflag:$0x3] =	sbarrier.arrive $0xFFFF;
	s2 =	simm.s32 @!p0 $0x1C05  }
0x1bd: {  	[timem:s3], [sflag:s2] =	dma.local @!p0 [hbm:s0], s1  }
0x1be: {  	s0 =	simm.s32 @!p0 $0x5  }
0x1bf: {  	_ =	swait.ge @!p0 [sflag:s0], s1  }
0x1c0: {  	s1 =	ssub.s32 @!p0 $0x0, s1;
	[sflag:s0] =	ssyncset.done @!p0 $0x0  }
0x1c1: {  	[sflag:s0] =	ssyncadd.s32 @!p0 s1  }
0x1c2: {  	[bflag:$0x3] =	sbarrier.arrive $0xFFFF  }
0x1c3: {  	_ =	shalt  }

// kernel: sparse-core-data-format-call.cloned.1.call-start
scs
called_computation_lowered:
.L_overlay_start_0:
0x0: {  	s2 =	sld [smem:$0x3FD9]  }
0x1: {  	s3 =	sld [smem:$0x3FFE];
	_ =	sdelay $0x1  }
0x2: {  	s1 =	srdreg.scid  }
0x3: {  	s0 =	sand.u32 $0x1, s1  }
0x4: {  	s18 =	sshll.u32 s0, $0xA;
	s2 =	sadd.s32 s3, s2  }
0x5: {  	s2 =	sadd.s32 s2, s18  }
0x6: {  	[smem:$0x3FBE] =	sst s2  }
0x7: {  	_ = 	snop  }
0x8: {  	s2 =	sld [smem:$0x3FD0];
	(tm) =	ssettm $0x1  }
0x9: {  	s19 =	sld [smem:$0x3FFB];
	_ =	sdelay $0x3  }
0xa: {  	_ =	strace s19  }
0xb: {  	s3 =	sld [smem:$0x3FFC];
	_ =	sdelay $0x3  }
0xc: {  	_ =	strace s3  }
0xd: {  	s3 =	sld [smem:$0x3FFD];
	_ =	sdelay $0x3  }
0xe: {  	_ =	strace s3  }
0xf: {  	_ =	strace $0x8FFFFFFF  }
0x10: {  	s20 =	sld [smem:$0x3FDB];
	_ =	sdelay $0x1  }
0x11: {  	s4 =	simm.s32 $_scs_section_size  }
0x12: {  	s5 =	simm.s32 $_size__tile_overlayer_lowered;
	s6 =	simm.s32 $_tile_overlayer_lowered  }
0x13: {  	s23 =	simm.s32 $0x1BFF;
	s22 =	sshll.u32 s6, $0x1;
	s3 =	sadd.s32 s4, s20  }
0x14: {  	s7 =	simm.s32 $0x0;
	s21 =	sshll.u32 s5, $0x1;
	s5 =	sadd.s32 s22, s3  }
0x15: {  	[timem:s7], [sflag:s23] =	dma.local [hbm:s5], s21  }
0x16: {  	_ =	swait.ge [sflag:s23], s21  }
0x17: {  	s4 =	ssub.s32 $0x0, s21;
	[sflag:s23] =	ssyncset.done $0x0  }
0x18: {  	[sflag:s23] =	ssyncadd.s32 s4;
	_ =	sdelay $0x1  }
0x19: {  	s24 =	simm.s32 $0x1B8B  }
0x1a: {  	_ =	swait.ge [sflag:s24], $0x1  }
0x1b: {  	[sflag:s24] =	ssyncset.done $0x0  }
0x1c: {  	s26 =	simm.s32 $0x1B8E;
	s25 =	sld [smem:$0x3FFE];
	[sflag:s24] =	ssyncadd.s32 $0xFFFFFFFF  }
0x1d: {  	s27 =	simm.s32 $execute0_lowered;
	[smem:$0x3FD2] =	sst s26  }
0x1e: {  	s5 =	sshll.u32 s27, $0x1;
	_ =	strace $0x80000049;
	[dreg:$0x1] =	wrdreg $0xFFFFFFFF  }
0x1f: {  	s28 =	simm.s32 $_size_execute0_lowered;
	s3 =	sadd.s32 s3, s5;
	[dreg:$0x0] =	wrdreg $0x0  }
0x20: {  	s5 =	sshll.u32 s28, $0x1;
	[dreg:$0x2] =	wrdreg s3  }
0x21: {  	[dreg:$0x3] =	wrdreg s5  }
0x22: {  	[dreg:$0x4] =	wrdreg $0xC0  }
0x23: {  	_ =	task [dreg:s7], $0x5FFFF  }
0x24: {  	[dreg:$0x1] =	wrdreg $0xFFFFFFFF  }
0x25: {  	[dreg:$0x0] =	wrdreg $0x60  }
0x26: {  	[dreg:$0x2] =	wrdreg s25  }
0x27: {  	[dreg:$0x3] =	wrdreg s2  }
0x28: {  	[dreg:$0x4] =	wrdreg $0x9  }
0x29: {  	_ =	task.clear_ibuf [dreg:s7], $0x5FFFF;
	_ =	strace $0x90000049  }
0x2a: {  	s29 =	simm.s32 $0x9;
	_ =	strace $0x8000004B  }
0x2b: {  	_ =	swait.ge [sflag:s29], $0x1  }
0x2c: {  	[sflag:s29] =	ssyncadd.s32 $0xFFFFFFFF  }
0x2d: {  	_ =	strace $0x9000004B  }
0x2e: {  	_ =	sfence  }
0x2f: {  	s30 =	sld [smem:$0x0];
	_ =	sdelay $0x2  }
0x30: {  	s31 =	sshll.u32 s1, $0xD;
	s1 =	sshrl.u32 s1, $0x2  }
0x31: {  	s3 =	sand.u32 $0x4000, s31;
	s1 =	sadd.s32 s1, s30  }
0x32: {  	s0 =	sor.u32 s3, s0;
	s1 =	sshll.u32 s1, $0x11  }
0x33: {  	s0 =	sor.u32 s1, s0  }
0x34: {  	s0 =	sadd.s32 $0x8F2B, s0  }
0x35: {  	[sflag:s0] =	ssyncadd.remote.s32 $0x1  }
0x36: {  	_ =	sfence.sel $0xFFFF  }
0x37: {  	[dreg:$0x0] =	wrdreg $0xFFFFFFFF;
	(pc) =	sbr.abs _section_cstart, $3  }
0x38: {  	[dreg:$0x1] =	wrdreg $0xFFFFFFFF  }
0x39: {  	_ =	task.clear_ibuf [dreg:s7], $0x2FFFF;
	_ =	strace $0x9FFFFFFF  }
0x3a: {  	(tm) =	ssettm $0x7FFFFFFF  }
0x3b: {  	_ =	shalt  }
tec
execute0_lowered:
.L_overlay_start_1:
0x0: {  	(tag) =	ssettag $0x1  }
0x1: {  	s0 =	srdreg.scid  }
0x2: {  	s1 =	sshll.u32 s0, $0x4  }
0x3: {  	s6 =	rddreg [dreg:$0x0];
	s0 =	stileid.u32;
	s1 =	sand.u32 $0x10, s1  }
0x4: {  	s3 =	rddreg [dreg:$0x1];
	s1 =	sor.u32 s0, s1  }
0x5: {  	s5 =	simm.s32 $0x1;
	s31 =	simm.s32 $0x2;
	s2 =	sshll.u32 s1, $0x7  }
0x6: {  	s15 =	simm.s32 $0x0;
	s8 =	simm.s32 $0x20000;
	s4 =	ssub.s32 $0x4000, s2  }
0x7: {  	s14 =	simm.s32 $0x0;
	s9 =	simm.s32 $0x0;
	s30 =	sand.u32 $0xF80, s4  }
0x8: {  	s10 =	simm.s32 $0x0;
	s11 =	simm.s32 $0x0;
	p0 =	sne.s32 s30, $0x0  }
.Ltmp0:
0x9: {  	s7 =	sshrl.u32 s4, $0xC;
	s5 =	simm.s32 @!p0 $0x0;
	(pc) =	sbr.rel .LBB1_1-.Ltmp0, $4  }
0xa: {  	s13 =	simm.s32 $0x0;
	s1 =	rddreg [dreg:$0x2];
	s5 =	sadd.s32 s5, s7  }
0xb: {  	_ =	strace $0x8000004A;
	s4 =	simm.s32 $0x1;
	s5 =	smul.u32 $0x5, s5  }
0xc: {  	s6 =	sadd.s32 $0x800, s6;
	s12 =	smov.u32 s2;
	[sflag:s4] =	ssyncpa.u1 $0x0  }
0xd: {  	[sflag:s31] =	ssyncpa.u1 $0x0;
	p0 =	por $0x0, $0x0;
	s7 =	sadd.s32 $0x1, s5  }
.LBB1_4:
0xe: {  	s20 =	sshra.s32 s20, $0x2  }
0xf: {  	s28 =	sand.u32 $0x78, s10;
	s21 =	sshll.u32 s9, $0xE;
	s22 =	sshll.u32 s10, $0x3  }
0x10: {  	s24 =	sshll.u32 s9, $0x7;
	p1 =	sgt.s32 s9, $0x1C0;
	s30 =	sshra.s32 s9, $0x1F  }
0x11: {  	s26 =	sshra.s32 s10, $0x1F;
	s19 =	sadd.s32 s20, s19;
	s21 =	sand.u32 $0xFFFE0000, s21  }
0x12: {  	v5 =	vld [tilespmem:s17+$0xFFFFFFD0];
	[tilespmem:s18+$0x2040 ss:$0x81] =	vst.msk $0xffff, v4;
	s23 =	sand.u32 $0xFFFFFC00, s22;
	s29 =	sand.u32 $0x380, s24;
	s22 =	sand.u32 $0x3C00, s22  }
0x13: {  	v58 =	vld [tilespmem:s17+$0xFFFFFFE0];
	[tilespmem:s18+$0x2850 ss:$0x81] =	vst.msk $0xffff, v3;
	s21 =	sadd.s32 s23, s21;
	s20 =	sor.u32 s28, s22;
	s22 =	smov.u32 s9  }
0x14: {  	v59 =	vld [tilespmem:s17+$0xFFFFFFF0];
	[tilespmem:s18+$0x3060 ss:$0x81] =	vst.msk $0xffff, v2;
	s24 =	sand.u32 s30, s9;
	s21 =	sshrl.u32 s21, $0xE;
	s22 =	simm.s32 @!p1 $0x1C0  }
0x15: {  	v60 =	vld [tilespmem:s17+$0x0];
	[tilespmem:s18+$0x0 ss:$0x81] =	vst.msk $0xffff, v1;
	p1 =	sgt.s32 s10, $0x3F80;
	s31 =	ssub.s32 s22, s24;
	s22 =	smov.u32 s10  }
0x16: {  	v61 =	vld [tilespmem:s17+$0x10];
	[tilespmem:s19+$0x3870 ss:$0x81] =	vst.msk $0xffff, v0;
	s25 =	smulhi.u32 $0x71C71D, s21;
	s24 =	sand.u32 s26, s10;
	s22 =	simm.s32 @!p1 $0x3F80  }
0x17: {  	v62 =	vld [tilespmem:s17+$0x20];
	s20 =	sor.u32 s29, s20;
	[tilespmem:s19+$0x810 ss:$0x81] =	vst.msk $0xffff, v5;
	s27 =	sadd.s32 $0xFFFFFE40, s31;
	s22 =	ssub.s32 s22, s24  }
0x18: {  	v63 =	vld [tilespmem:s17+$0xFFFFFFC0];
	[tilespmem:s19+$0x1020 ss:$0x81] =	vst.msk $0xffff, v58;
	s18 =	ssub.s32 $0x240, s31;
	s28 =	smul.u32 $0x240, s25;
	s29 =	sadd.s32 $0xFFFFC080, s22  }
0x19: {  	[tilespmem:s19+$0x1830 ss:$0x81] =	vst.msk $0xffff, v59;
	p1 =	sgt.s32 s27, $0x7F;
	s22 =	ssub.s32 $0x4000, s22;
	p2 =	sgt.s32 s29, $0x7F  }
0x1a: {  	s30 =	sand.u32 $0x7, s10;
	[tilespmem:s19+$0x2040 ss:$0x81] =	vst.msk $0xffff, v60;
	s18 =	simm.s32 @p1 $0x0;
	s22 =	simm.s32 @p2 $0x0  }
0x1b: {  	s20 =	sshrl.u32 s20, $0x3;
	[tilespmem:s19+$0x2850 ss:$0x81] =	vst.msk $0xffff, v61;
	s17 =	ssub.s32 s21, s28;
	s18 =	smul.u32 s22, s18  }
0x1c: {  	[tilespmem:s19+$0x3060 ss:$0x81] =	vst.msk $0xffff, v62;
	s20 =	sadd.s32 s3, s20;
	s21 =	sshll.u32 s30, $0x12;
	s17 =	sshll.u32 s17, $0xB  }
0x1d: {  	[tilespmem:s19+$0x0 ss:$0x81] =	vst.msk $0xffff, v63;
	s31 =	sor.u32 $0x400, s21;
	s17 =	sadd.s32 s17, s20;
	s18 =	sand.u32 $0x3FFFFFFF, s18  }
0x1e: {  	[hbm4b:s17+s31] =	stream.strided.scatter [tilespmem:s16], [sflag:$0x2], s18, s8, s31, $0x20;
	[tilespmem:$0x10100] =	vst v63  }
.LBB1_5:
0x1f: {  	p1 =	slt.u32 s13, $0x2  }
0x20: {  	s17 =	smov.u32 s15;
	p2 =	sgt.s32 @!p1 s15, $0x1C0;
	s16 =	sshra.s32 @!p1 s15, $0x1F  }
0x21: {  	p3 =	sgt.s32 @!p1 s14, $0x3F80;
	s18 =	sshra.s32 @!p1 s14, $0x1F;
	p2 =	por !p2, p1  }
0x22: {  	s15 =	sand.u32 @!p1 s16, s15;
	p3 =	por !p3, p1;
	s16 =	smov.u32 s14  }
0x23: {  	s14 =	sand.u32 @!p1 s18, s14;
	s17 =	simm.s32 @p2 $0x1C0;
	s16 =	simm.s32 @p3 $0x3F80  }
0x24: {  	s15 =	ssub.s32 @!p1 s17, s15;
	s14 =	ssub.s32 @!p1 s16, s14  }
0x25: {  	s18 =	smov.u32 s12;
	s16 =	sadd.s32 @!p1 $0xFFFFFE40, s15;
	s17 =	sadd.s32 @!p1 $0xFFFFC080, s14  }
0x26: {  	s15 =	ssub.s32 @!p1 $0x240, s15;
	p2 =	sgt.s32 @!p1 s16, $0x7F;
	p3 =	sgt.s32 @!p1 s17, $0x7F  }
0x27: {  	s14 =	ssub.s32 @!p1 $0x4000, s14;
	p2 =	por !p2, p1;
	p3 =	por !p3, p1  }
0x28: {  	s16 =	sadd.s32 $0x80, s11;
	s15 =	simm.s32 @!p2 $0x0;
	s14 =	simm.s32 @!p3 $0x0  }
0x29: {  	p2 =	sgt.s32 s16, $0x23F;
	s14 =	smul.u32 @!p1 s14, s15;
	s15 =	sadd.s32 $0x1000, s12  }
0x2a: {  	s18 =	smov.u32 @p2 s15  }
0x2b: {  	s16 =	simm.s32 @p2 $0x0;
	p2 =	sgt.s32 s18, $0x3FFF  }
0x2c: {  	s18 =	smov.u32 @p2 s2;
	p2 =	sne.s32 s13, s7  }
.Ltmp1:
0x2d: {  	p0 =	por !p0, !p0;
	s17 =	simm.s32 @!p1 $0x2;
	(pc) =	sbr.rel @!p2 .LBB1_6-.Ltmp1, $4  }
0x2e: {  	s15 =	smov.u32 s9;
	s9 =	smov.u32 s11;
	s14 =	sand.u32 @!p1 $0x3FFFFFFF, s14  }
0x2f: {  	s11 =	smov.u32 s16;
	_ =	swait.ge @!p1 [sflag:s17], s14;
	s19 =	ssub.s32 @!p1 $0x0, s14  }
0x30: {  	s14 =	smov.u32 s10;
	s13 =	sadd.s32 $0x1, s13;
	[sflag:s17] =	ssyncset.done @!p1 $0x0  }
0x31: {  	s10 =	smov.u32 s12;
	s12 =	smov.u32 s18;
	[sflag:s17] =	ssyncadd.s32 @!p1 s19  }
.LBB1_1:
0x32: {  	p1 =	sge.u32 s13, s5  }
0x33: {  	s16 =	sshrl.u32 @!p1 s12, $0x3  }
0x34: {  	s17 =	sshll.u32 @!p1 s11, $0x3;
	s16 =	smul.u32 @!p1 $0x1400, s16  }
0x35: {  	s18 =	sshll.u32 @!p1 s12, $0x7;
	s17 =	sand.u32 @!p1 $0xFFFFFC00, s17  }
0x36: {  	s16 =	sadd.s32 @!p1 s16, s17;
	s17 =	sand.u32 @!p1 $0x380, s18  }
0x37: {  	s18 =	sand.u32 @!p1 $0x7F, s11;
	s16 =	sor.u32 @!p1 s17, s16  }
0x38: {  	s17 =	sor.u32 @!p1 s18, s16  }
0x39: {  	s18 =	smulhi.u32 @!p1 $0xCCCCCCCD, s17;
	_ =	sdelay $0x1  }
0x3a: {  	s16 =	smulhi.u32 @!p1 $0xCCCCCCCD, s16;
	s18 =	sshrl.u32 @!p1 s18, $0x9  }
0x3b: {  	s18 =	smul.u32 @!p1 $0x280, s18  }
0x3c: {  	s31 =	sadd.s32 $0xFFFFFFFF, s13;
	s19 =	sxor.u32 @!p1 $0xFFFFFFFF, s13;
	s16 =	sshrl.u32 @!p1 s16, $0x9  }
0x3d: {  	s19 =	sshll.u32 @!p1 s19, $0xE;
	s16 =	sand.u32 @!p1 $0x3FFF, s16;
	s17 =	ssub.s32 @!p1 s17, s18  }
0x3e: {  	s16 =	smul.u32 @!p1 $0x50, s16;
	s18 =	sshrl.u32 @!p1 s17, $0x3;
	s17 =	sand.u32 @!p1 $0x7, s17  }
0x3f: {  	s19 =	sand.u32 @!p1 $0x4000, s19;
	s18 =	sadd.s32 @!p1 s6, s18;
	s17 =	sshll.u32 @!p1 s17, $0x12  }
0x40: {  	s16 =	sadd.s32 @!p1 s16, s18;
	s17 =	sor.u32 @!p1 $0x400, s17;
	s18 =	simm.s32 @!p1 $0x1400  }
0x41: {  	[tilespmem:s19], [sflag:$0x1] =	stream.strided.gather @!p1 [hbm4b:s16+s17], $0x4000, s18, s17, $0x38;
	[tilespmem:$0x10100] =	vst v63  }
0x42: {  	p1 =	sge.u32 s31, s5  }
.Ltmp2:
0x43: {  	_ = 	snop;
	(pc) =	sbr.rel @p1 .LBB1_5-.Ltmp2, $1  }
0x44: {  	_ =	sdelay $0x3  }
0x45: {  	s16 =	simm.s32 $0x1  }
0x46: {  	_ =	swait.ge [sflag:s4], $0x4000;
	s16 =	simm.s32 @!p0 $0x0  }
0x47: {  	[sflag:s4] =	ssyncset.done $0x0;
	s17 =	sshll.u32 s16, $0xE  }
0x48: {  	[sflag:s4] =	ssyncadd.s32 $0xFFFFC000;
	s17 =	sor.u32 $0x40, s17  }
0x49: {  	s16 =	smul.u32 $0x10200, s16;
	v0 =	vld [tilespmem:s17+$0x30]  }
0x4a: {  	v1 =	vld [tilespmem:s17+$0xFFFFFFD0]  }
0x4b: {  	s16 =	sshrl.u32 s16, $0x2;
	v5 =	vld [tilespmem:s17+$0xFFFFFFE0]  }
0x4c: {  	v6 =	vld [tilespmem:s17+$0xFFFFFFF0];
	s19 =	sor.u32 $0x8000, s16  }
0x4d: {  	s31 =	sand.u32 $0x1, s13;
	v4 =	vld [tilespmem:s17+$0x0];
	s18 =	sadd.s32 $0x0, s19  }
0x4e: {  	v3 =	vld [tilespmem:s17+$0x10];
	s16 =	smul.u32 $0x10200, s31;
	[tilespmem:s18+$0x3870 ss:$0x81] =	vst.msk $0xffff, v0  }
0x4f: {  	v2 =	vld [tilespmem:s17+$0x20];
	[tilespmem:s18+$0x810 ss:$0x81] =	vst.msk $0xffff, v1  }
0x50: {  	s16 =	sshrl.u32 s16, $0x2;
	v1 =	vld [tilespmem:s17+$0xFFFFFFC0];
	[tilespmem:s18+$0x1020 ss:$0x81] =	vst.msk $0xffff, v5;
	s17 =	sadd.s32 $0x80, s17  }
0x51: {  	s20 =	simm.s32 $0x4;
	s21 =	simm.s32 $0x8;
	s16 =	sor.u32 $0x8000, s16;
	[tilespmem:s18+$0x1830 ss:$0x81] =	vst.msk $0xffff, v6;
	v0 =	vld [tilespmem:s17+$0x30]  }
.LBB1_3:
0x52: {  	p1 =	sne.s32 s21, $0x1FC;
	v5 =	vld [tilespmem:s17+$0xFFFFFFD0];
	[tilespmem:s18+$0x2040 ss:$0x81] =	vst.msk $0xffff, v4  }
0x53: {  	v6 =	vld [tilespmem:s17+$0xFFFFFFE0];
	[tilespmem:s18+$0x2850 ss:$0x81] =	vst.msk $0xffff, v3  }
0x54: {  	s22 =	sshra.s32 s20, $0x2;
	s20 =	smov.u32 s21;
	v7 =	vld [tilespmem:s17+$0xFFFFFFF0];
	[tilespmem:s18+$0x3060 ss:$0x81] =	vst.msk $0xffff, v2  }
.Ltmp3:
0x55: {  	v4 =	vld [tilespmem:s17+$0x0];
	[tilespmem:s18+$0x0 ss:$0x81] =	vst.msk $0xffff, v1;
	s18 =	sadd.s32 s22, s19;
	(pc) =	sbr.rel @p1 .LBB1_3-.Ltmp3, $4  }
0x56: {  	v3 =	vld [tilespmem:s17+$0x10];
	[tilespmem:s18+$0x3870 ss:$0x81] =	vst.msk $0xffff, v0  }
0x57: {  	[tilespmem:s18+$0x810 ss:$0x81] =	vst.msk $0xffff, v5;
	v2 =	vld [tilespmem:s17+$0x20]  }
0x58: {  	v1 =	vld [tilespmem:s17+$0xFFFFFFC0];
	[tilespmem:s18+$0x1020 ss:$0x81] =	vst.msk $0xffff, v6;
	s17 =	sadd.s32 $0x80, s17  }
0x59: {  	s21 =	sadd.s32 $0x4, s21;
	v0 =	vld [tilespmem:s17+$0x30];
	[tilespmem:s18+$0x1830 ss:$0x81] =	vst.msk $0xffff, v7  }
.Ltmp4:
0x5a: {  	_ = 	snop;
	(pc) =	sbr.rel .LBB1_4-.Ltmp4, $1  }
0x5b: {  	_ =	sdelay $0x3  }
.LBB1_6:
0x5c: {  	_ =	sfence.sel $0x180000  }
0x5d: {  	s2 =	simm.s32 $0x1;
	[bflag:$0x0] =	sbarrier.arrive $0xFFFF  }
0x5e: {  	s31 =	simm.s32 $0x2;
	[sflag:s2] =	ssyncpa.u1 $0x1  }
0x5f: {  	[sflag:s31] =	ssyncpa.u1 $0x1  }
0x60: {  	p0 =	sne.s32 s0, $0x0;
	_ =	strace $0x9000004A  }
0x61: {  	s0 =	sadd.s32 @!p0 $0x100000, s1;
	[bflag:$0x2] =	sbarrier.arrive $0xFFFF  }
0x62: {  	[sflag:s0] =	ssyncadd.tile.s32 @!p0 $0x1;
	_ =	shalt  }
.Lfunc_end1:
_tile_overlayer_lowered:
.L_overlay_start_2:
0x63: {  	(tag) =	ssettag $0x2  }
0x64: {  	s0 =	rddreg [dreg:$0x0];
	s2 =	stileid.u32  }
0x65: {  	s1 =	rddreg [dreg:$0x1];
	p0 =	sne.s32 s2, $0x0  }
0x66: {  	s3 =	rddreg [dreg:$0x2];
	[bflag:$0x3] =	sbarrier.arrive $0xFFFF;
	s2 =	simm.s32 @!p0 $0x1C01  }
0x67: {  	[timem:s3], [sflag:s2] =	dma.local @!p0 [hbm:s0], s1  }
0x68: {  	s0 =	simm.s32 @!p0 $0x1  }
0x69: {  	_ =	swait.ge @!p0 [sflag:s0], s1  }
0x6a: {  	s1 =	ssub.s32 @!p0 $0x0, s1;
	[sflag:s0] =	ssyncset.done @!p0 $0x0  }
0x6b: {  	[sflag:s0] =	ssyncadd.s32 @!p0 s1  }
0x6c: {  	[bflag:$0x3] =	sbarrier.arrive $0xFFFF  }
0x6d: {  	_ =	shalt  }

</sc_bundles>
